<compile_context>
chip_gen: v7x
topology: tpu7x:2x2x1
jax: 0.10.2.dev20260603
libtpu: 0.0.44.dev20260713+nightly
codegen_flags: <defaults>
</compile_context>

<pallas_src>
import functools

import jax
import jax.numpy as jnp
from jax import lax
from jax.experimental import pallas as pl
from jax.experimental.pallas import tpu as pltpu
from jax.experimental.pallas import tpu_sc as plsc

PC_RANGE = (-51.2, -51.2, -3.0, 51.2, 51.2, 3.0)
VOXEL = (0.4, 0.4, 6.0)
H, WD = 256, 256
V = H * WD
FEAT = 64
N = 16384
B = 4

NSC = 2
NSUB = 16
CHUNK = 2048
NC = N // CHUNK
NFB = 4
VL = 16


def _voxf(xs, ys):
    x0, y0 = PC_RANGE[0], PC_RANGE[1]
    vx, vy = VOXEL[0], VOXEL[1]
    ix = jnp.clip(jnp.floor((xs - x0) / vx), 0.0, WD - 1.0)
    iy = jnp.clip(jnp.floor((ys - y0) / vy), 0.0, H - 1.0)
    return ix, iy




def _a_lin_body(xp_ref, yp_ref, out_ref):
    ix, iy = _voxf(xp_ref[0], yp_ref[0])
    out_ref[0] = (iy * WD + ix).astype(jnp.int32)


def _a_lin(xr, yr):
    return pl.pallas_call(
        _a_lin_body,
        grid=(B,),
        in_specs=[
            pl.BlockSpec((1, 128, 128), lambda i: (i, 0, 0)),
            pl.BlockSpec((1, 128, 128), lambda i: (i, 0, 0)),
        ],
        out_specs=pl.BlockSpec((1, 128, 128), lambda i: (i, 0, 0)),
        out_shape=jax.ShapeDtypeStruct((B, 128, 128), jnp.int32),
    )(xr, yr)




UNROLL = 8


def _zero_table(tab):
    zv = jnp.zeros((VL,), jnp.float32)

    def zi(i, _):
        for u in range(UNROLL):
            o = pl.multiple_of(i * (VL * UNROLL) + u * VL, VL)
            tab[pl.ds(o, VL)] = zv
        return 0
    lax.fori_loop(0, V // (VL * UNROLL), zi, 0)


def _scatter_add(tab, idx_v, val_v):
    def si(i, _):
        for u in range(UNROLL):
            o = pl.multiple_of(i * (VL * UNROLL) + u * VL, VL)
            iv = idx_v[pl.ds(o, VL)]
            vv = val_v[pl.ds(o, VL)]
            plsc.addupdate_scatter(tab, [iv], vv)
        return 0
    lax.fori_loop(0, N // (VL * UNROLL), si, 0)


def _scatter_zero(tab, idx_v):
    zv = jnp.zeros((VL,), jnp.float32)

    def si(i, _):
        for u in range(UNROLL):
            o = pl.multiple_of(i * (VL * UNROLL) + u * VL, VL)
            iv = idx_v[pl.ds(o, VL)]
            plsc.store_scatter(tab, [iv], zv)
        return 0
    lax.fori_loop(0, N // (VL * UNROLL), si, 0)




def _sc_b_body(vals_hbm, lin_hbm, g_hbm, idx_v, val_v, gout_v, tab):
    c = lax.axis_index("c")
    s = lax.axis_index("s")

    @pl.when(s < (B // NSC) * 4)
    def _():
        bb = c * (B // NSC) + lax.div(s, 4)
        comp = lax.rem(s, 4)
        pltpu.sync_copy(lin_hbm.at[bb], idx_v)
        pltpu.sync_copy(vals_hbm.at[bb, comp], val_v)
        _zero_table(tab)
        _scatter_add(tab, idx_v, val_v)

        def gi(i, _):
            for u in range(UNROLL):
                o = pl.multiple_of(i * (VL * UNROLL) + u * VL, VL)
                iv = idx_v[pl.ds(o, VL)]
                gout_v[pl.ds(o, VL)] = plsc.load_gather(tab, [iv])
            return 0

        lax.fori_loop(0, N // (VL * UNROLL), gi, 0)
        pltpu.sync_copy(gout_v, g_hbm.at[bb, comp])


def _sc_b(vals3, lin2):
    mesh = plsc.VectorSubcoreMesh(core_axis_name="c", subcore_axis_name="s")
    f = functools.partial(
        pl.kernel,
        out_type=jax.ShapeDtypeStruct((B, 4, N), jnp.float32),
        mesh=mesh,
        compiler_params=pltpu.CompilerParams(needs_layout_passes=False),
        scratch_types=[
            pltpu.VMEM((N,), jnp.int32),
            pltpu.VMEM((N,), jnp.float32),
            pltpu.VMEM((N,), jnp.float32),
            pltpu.VMEM((V,), jnp.float32),
        ],
    )(_sc_b_body)
    return f(vals3, lin2)




def _aug_t(xp, yp, zp, f1, f2, f3, gx, gy, gz, gc):
    invc = 1.0 / gc
    mx = gx * invc
    my = gy * invc
    mz = gz * invc
    x0, y0 = PC_RANGE[0], PC_RANGE[1]
    vx, vy = VOXEL[0], VOXEL[1]
    ix, iy = _voxf(xp, yp)
    cx = (ix + 0.5) * vx + x0
    cy = (iy + 0.5) * vy + y0
    aug = jnp.concatenate([
        xp, yp, zp, f1, f2, f3,
        xp - mx, yp - my, zp - mz,
        xp - cx, yp - cy,
        jnp.zeros((5, CHUNK), jnp.float32),
    ], axis=0)
    return aug, invc


def _c1_body(xp_ref, yp_ref, zp_ref, f1_ref, f2_ref, f3_ref,
             gx_ref, gy_ref, gz_ref, gc_ref, wpt_ref, b_ref, out_ref):
    j = pl.program_id(1)
    aug, _ = _aug_t(xp_ref[0], yp_ref[0], zp_ref[0], f1_ref[0], f2_ref[0],
                    f3_ref[0], gx_ref[0], gy_ref[0], gz_ref[0], gc_ref[0])
    ht = jnp.dot(wpt_ref[...], aug, preferred_element_type=jnp.float32) + b_ref[...]
    st = jnp.sum(ht, axis=1, keepdims=True)
    s2 = jnp.sum(ht * ht, axis=1, keepdims=True)
    part = jnp.concatenate([st, s2], axis=1)[None]

    @pl.when(j == 0)
    def _():
        out_ref[...] = part

    @pl.when(j > 0)
    def _():
        out_ref[...] += part


def _c2_body(xp_ref, yp_ref, zp_ref, f1_ref, f2_ref, f3_ref,
             gx_ref, gy_ref, gz_ref, gc_ref, wpt_ref, b_ref,
             gamma_ref, beta_ref, stats_ref, out_ref):
    aug, invc = _aug_t(xp_ref[0], yp_ref[0], zp_ref[0], f1_ref[0], f2_ref[0],
                       f3_ref[0], gx_ref[0], gy_ref[0], gz_ref[0], gc_ref[0])
    ht = jnp.dot(wpt_ref[...], aug, preferred_element_type=jnp.float32) + b_ref[...]
    n_total = float(N)
    mu = stats_ref[0, :, 0:1] / n_total
    var = stats_ref[0, :, 1:2] / n_total - mu * mu
    hn = (ht - mu) * lax.rsqrt(var + 1e-3) * gamma_ref[...] + beta_ref[...]
    out_ref[0] = jnp.maximum(hn, 0.0) * invc


def _stage_c(planes, WpT, b2, gamma2, beta2):
    plane_spec = pl.BlockSpec((1, 1, CHUNK), lambda i, j: (i * NC + j, 0, 0))
    plane_specs = [plane_spec for _ in range(10)]
    w_specs = [
        pl.BlockSpec((FEAT, 16), lambda i, j: (0, 0)),
        pl.BlockSpec((FEAT, 1), lambda i, j: (0, 0)),
    ]
    stats = pl.pallas_call(
        _c1_body,
        grid=(B, NC),
        in_specs=plane_specs + w_specs,
        out_specs=pl.BlockSpec((1, FEAT, 2), lambda i, j: (i, 0, 0)),
        out_shape=jax.ShapeDtypeStruct((B, FEAT, 2), jnp.float32),
    )(*planes, WpT, b2)
    return pl.pallas_call(
        _c2_body,
        grid=(B, NC),
        in_specs=plane_specs + w_specs + [
            pl.BlockSpec((FEAT, 1), lambda i, j: (0, 0)),
            pl.BlockSpec((FEAT, 1), lambda i, j: (0, 0)),
            pl.BlockSpec((1, FEAT, 2), lambda i, j: (i, 0, 0)),
        ],
        out_specs=pl.BlockSpec((1, FEAT, CHUNK), lambda i, j: (i, 0, j)),
        out_shape=jax.ShapeDtypeStruct((B, FEAT, N), jnp.float32),
    )(*planes, WpT, b2, gamma2, beta2, stats)




def _sc_d_body(h_hbm, lin_hbm, out_hbm, idx_v, val_v, tab):
    c = lax.axis_index("c")
    s = lax.axis_index("s")
    nwave = (B // NSC) * NFB

    _zero_table(tab)

    def wave_i(t, _):
        bb = c * (B // NSC) + lax.div(t, NFB)
        q = lax.rem(t, NFB)
        fq = q * VL + s

        @pl.when(q == 0)
        def _():
            pltpu.sync_copy(lin_hbm.at[bb], idx_v)

        pltpu.sync_copy(h_hbm.at[bb, fq], val_v)
        _scatter_add(tab, idx_v, val_v)
        pltpu.sync_copy(tab, out_hbm.at[bb, fq])
        _scatter_zero(tab, idx_v)
        return 0

    lax.fori_loop(0, nwave, wave_i, 0)


def _sc_d(h3, lin2):
    mesh = plsc.VectorSubcoreMesh(core_axis_name="c", subcore_axis_name="s")
    f = functools.partial(
        pl.kernel,
        out_type=jax.ShapeDtypeStruct((B, FEAT, V), jnp.float32),
        mesh=mesh,
        compiler_params=pltpu.CompilerParams(needs_layout_passes=False),
        scratch_types=[
            pltpu.VMEM((N,), jnp.int32),
            pltpu.VMEM((N,), jnp.float32),
            pltpu.VMEM((V,), jnp.float32),
        ],
    )(_sc_d_body)
    return f(h3, lin2)




def kernel(points, W, b, gamma, beta):
    pf = [points[..., i] for i in range(6)]

    lini = _a_lin(pf[0].reshape(B, 128, 128), pf[1].reshape(B, 128, 128))
    lin2 = lini.reshape(B, N)

    vals3 = jnp.stack(
        [pf[0], pf[1], pf[2], jnp.ones((B, N), jnp.float32)], axis=1)
    g = _sc_b(vals3, lin2)
    gplanes = [g[:, i].reshape(B * NC, 1, CHUNK) for i in range(4)]

    planes = [p.reshape(B * NC, 1, CHUNK) for p in pf] + gplanes
    WpT = jnp.concatenate([W, jnp.zeros((5, FEAT), jnp.float32)], axis=0).T
    h = _stage_c(planes, WpT, b[:, None], gamma[:, None], beta[:, None])

    canvas = _sc_d(h, lin2)
    return canvas.reshape(B, FEAT, H, WD)

# --- scband reference (transcript-rebuilt; emitter-appended) ---
"""Pipeline reference for scband-new-radar-dynamic-embedder-90950227460828 (READ-ONLY COPY).

The authoritative reference and input builder live on the scoring server;
editing this copy changes nothing except your own understanding.
"""

import jax, jax.numpy as jnp
import numpy as np

PC_RANGE = (-51.2, -51.2, -3.0, 51.2, 51.2, 3.0)
VOXEL = (0.4, 0.4, 6.0)
DIMS = (256, 256)
FEAT = 64


def setup_inputs(seed: int = 0):
    key = jax.random.key(seed)
    k1, k2, k3, k4 = jax.random.split(key, 4)
    B, N = 4, 16384
    xy = jax.random.uniform(k1, (B, N, 2), minval=-51.0, maxval=51.0)
    z = jax.random.uniform(k2, (B, N, 1), minval=-2.9, maxval=2.9)
    feats = jax.random.normal(k3, (B, N, 3))
    points = jnp.concatenate([xy, z, feats], axis=-1).astype(jnp.float32)
    W = (jax.random.normal(k4, (11, FEAT)) * 0.05).astype(jnp.float32)
    b = jnp.zeros((FEAT,), jnp.float32)
    gamma = jnp.ones((FEAT,), jnp.float32)
    beta = jnp.zeros((FEAT,), jnp.float32)
    return {"points": points, "W": W, "b": b, "gamma": gamma, "beta": beta}


def _voxel_indices(pts):
    # DynamicVoxelizer: assign each point to a pillar (all generated points are in range)
    x0, y0 = PC_RANGE[0], PC_RANGE[1]
    vx, vy = VOXEL[0], VOXEL[1]
    H, Wd = DIMS
    ix = jnp.clip(jnp.floor((pts[:, 0] - x0) / vx).astype(jnp.int32), 0, Wd - 1)
    iy = jnp.clip(jnp.floor((pts[:, 1] - y0) / vy).astype(jnp.int32), 0, H - 1)
    lin = iy * Wd + ix
    cx = (ix.astype(jnp.float32) + 0.5) * vx + x0
    cy = (iy.astype(jnp.float32) + 0.5) * vy + y0
    return lin, cx, cy


def _pillar_forward(pts, lin, cx, cy, W, b, gamma, beta):
    # Fusion_DynamicPillarFeatureNet: augment (raw6 + cluster offset3 + pillar-center offset2),
    # Linear -> BN -> ReLU, then 'avg' scatter to pillars; PointPillarsScatter to dense canvas.
    H, Wd = DIMS
    V = H * Wd
    n = pts.shape[0]
    cnt = jax.ops.segment_sum(jnp.ones((n,), jnp.float32), lin, num_segments=V)
    safe_cnt = jnp.maximum(cnt, 1.0)
    xyz = pts[:, :3]
    mean = jax.ops.segment_sum(xyz, lin, num_segments=V) / safe_cnt[:, None]
    f_cluster = xyz - mean[lin]
    f_center = jnp.stack([pts[:, 0] - cx, pts[:, 1] - cy], axis=1)
    aug = jnp.concatenate([pts, f_cluster, f_center], axis=1)  # [n, 11]
    h = aug @ W + b
    mu = h.mean(axis=0)
    var = h.var(axis=0)
    h = (h - mu) / jnp.sqrt(var + 1e-3) * gamma + beta
    h = jax.nn.relu(h)
    vfeat = jax.ops.segment_sum(h, lin, num_segments=V) / safe_cnt[:, None]
    canvas = vfeat.reshape(H, Wd, FEAT).transpose(2, 0, 1)
    return canvas


def reference(points, W, b, gamma, beta):
    canvases = []
    for bi in range(points.shape[0]):
        pts = points[bi]
        lin, cx, cy = _voxel_indices(pts)
        canvases.append(_pillar_forward(pts, lin, cx, cy, W, b, gamma, beta))
    return jnp.stack(canvases, axis=0)

if __name__ == "__main__":
    import jax
    _d = setup_inputs()
    print(jax.jit(kernel)(*tuple(_d.values())))

</pallas_src>

<mosaic_0001>
#map = affine_map<(d0, d1) -> (0, 0, 0)>
#map1 = affine_map<(d0, d1) -> (0, 0)>
module attributes {stable_mosaic.version = 14 : i64} {
  func.func @_sc_b_body(%arg0: i32, %arg1: i32, %arg2: memref<4x4x16384xf32, #tpu.memory_space<hbm>>, %arg3: memref<4x16384xi32, #tpu.memory_space<hbm>>, %arg4: memref<4x4x16384xf32, #tpu.memory_space<hbm>>, %arg5: memref<16384xi32, #tpu.memory_space<vmem>>, %arg6: memref<16384xf32, #tpu.memory_space<vmem>>, %arg7: memref<16384xf32, #tpu.memory_space<vmem>>, %arg8: memref<65536xf32, #tpu.memory_space<vmem>>) attributes {dimension_semantics = [#tpu.dimension_semantics<core_parallel>, #tpu.dimension_semantics<subcore_parallel>], iteration_bounds = array<i64: 2, 16>, scalar_prefetch = 0 : i64, scratch_operands = 4 : i64, tpu.core_type = #tpu.core_type<sc_vector_subcore>, window_params = [{transform_indices = #map}, {transform_indices = #map1}, {transform_indices = #map}]} {
    %lt3A = arith.constant 8 : i32
    %lt3A_0 = arith.cmpi slt, %arg1, %lt3A : i32
    %convert_element_type3A = arith.extui %lt3A_0 : i1 to i32
    %cond3A = arith.constant 0 : i32
    %cond3A_1 = arith.cmpi ne, %convert_element_type3A, %cond3A : i32
    scf.if %cond3A_1 {
      %mul3A = arith.constant 2 : i32
      %mul3A_2 = arith.muli %arg0, %mul3A : i32
      %div3A = arith.constant 4 : i32
      %div3A_3 = arith.divsi %arg1, %div3A : i32
      %add3A = arith.addi %mul3A_2, %div3A_3 : i32
      %rem3A = arith.constant 4 : i32
      %rem3A_4 = arith.remsi %arg1, %rem3A : i32
      "tpu.region"() ({
        %run_scoped3A = tpu.sem_alloc : memref<!tpu.dma_semaphore, #tpu.memory_space<semaphore_mem>>
        %dma_start3A = arith.constant 0 : i32
        %dma_start3A_26 = tpu.memref_slice %arg3[%add3A, %dma_start3A] : memref<4x16384xi32, #tpu.memory_space<hbm>> -> memref<1x16384xi32, #tpu.memory_space<hbm>>
        %dma_start3A_27 = tpu.memref_squeeze %dma_start3A_26 : memref<1x16384xi32, #tpu.memory_space<hbm>> -> memref<16384xi32, #tpu.memory_space<hbm>>
        %dma_start3A_28 = arith.constant 0 : i32
        %dma_start3A_29 = tpu.memref_slice %arg3[%add3A, %dma_start3A_28] : memref<4x16384xi32, #tpu.memory_space<hbm>> -> memref<1x16384xi32, #tpu.memory_space<hbm>>
        %dma_start3A_30 = tpu.memref_squeeze %dma_start3A_29 : memref<1x16384xi32, #tpu.memory_space<hbm>> -> memref<16384xi32, #tpu.memory_space<hbm>>
        tpu.enqueue_dma source(%dma_start3A_30 : memref<16384xi32, #tpu.memory_space<hbm>>) target(%arg5 : memref<16384xi32, #tpu.memory_space<vmem>>) target_semaphore(%run_scoped3A : memref<!tpu.dma_semaphore, #tpu.memory_space<semaphore_mem>>)
        %dma_wait3A = arith.constant 0 : i32
        %dma_wait3A_31 = tpu.memref_slice %arg3[%add3A, %dma_wait3A] : memref<4x16384xi32, #tpu.memory_space<hbm>> -> memref<1x16384xi32, #tpu.memory_space<hbm>>
        %dma_wait3A_32 = tpu.memref_squeeze %dma_wait3A_31 : memref<1x16384xi32, #tpu.memory_space<hbm>> -> memref<16384xi32, #tpu.memory_space<hbm>>
        %dma_wait3A_33 = arith.constant 0 : i32
        %dma_wait3A_34 = tpu.memref_slice %arg3[%add3A, %dma_wait3A_33] : memref<4x16384xi32, #tpu.memory_space<hbm>> -> memref<1x16384xi32, #tpu.memory_space<hbm>>
        %dma_wait3A_35 = tpu.memref_squeeze %dma_wait3A_34 : memref<1x16384xi32, #tpu.memory_space<hbm>> -> memref<16384xi32, #tpu.memory_space<hbm>>
        tpu.wait_dma2 semaphore(%run_scoped3A : memref<!tpu.dma_semaphore, #tpu.memory_space<semaphore_mem>>) src(%dma_wait3A_35 : memref<16384xi32, #tpu.memory_space<hbm>>) dst(%arg5 : memref<16384xi32, #tpu.memory_space<vmem>>)
        tpu.yield
      }) : () -> ()
      "tpu.region"() ({
        %run_scoped3A = tpu.sem_alloc : memref<!tpu.dma_semaphore, #tpu.memory_space<semaphore_mem>>
        %dma_start3A = arith.constant 0 : i32
        %dma_start3A_26 = tpu.memref_slice %arg2[%add3A, %rem3A_4, %dma_start3A] : memref<4x4x16384xf32, #tpu.memory_space<hbm>> -> memref<1x1x16384xf32, #tpu.memory_space<hbm>>
        %dma_start3A_27 = tpu.memref_squeeze %dma_start3A_26 : memref<1x1x16384xf32, #tpu.memory_space<hbm>> -> memref<16384xf32, #tpu.memory_space<hbm>>
        %dma_start3A_28 = arith.constant 0 : i32
        %dma_start3A_29 = tpu.memref_slice %arg2[%add3A, %rem3A_4, %dma_start3A_28] : memref<4x4x16384xf32, #tpu.memory_space<hbm>> -> memref<1x1x16384xf32, #tpu.memory_space<hbm>>
        %dma_start3A_30 = tpu.memref_squeeze %dma_start3A_29 : memref<1x1x16384xf32, #tpu.memory_space<hbm>> -> memref<16384xf32, #tpu.memory_space<hbm>>
        tpu.enqueue_dma source(%dma_start3A_30 : memref<16384xf32, #tpu.memory_space<hbm>>) target(%arg6 : memref<16384xf32, #tpu.memory_space<vmem>>) target_semaphore(%run_scoped3A : memref<!tpu.dma_semaphore, #tpu.memory_space<semaphore_mem>>)
        %dma_wait3A = arith.constant 0 : i32
        %dma_wait3A_31 = tpu.memref_slice %arg2[%add3A, %rem3A_4, %dma_wait3A] : memref<4x4x16384xf32, #tpu.memory_space<hbm>> -> memref<1x1x16384xf32, #tpu.memory_space<hbm>>
        %dma_wait3A_32 = tpu.memref_squeeze %dma_wait3A_31 : memref<1x1x16384xf32, #tpu.memory_space<hbm>> -> memref<16384xf32, #tpu.memory_space<hbm>>
        %dma_wait3A_33 = arith.constant 0 : i32
        %dma_wait3A_34 = tpu.memref_slice %arg2[%add3A, %rem3A_4, %dma_wait3A_33] : memref<4x4x16384xf32, #tpu.memory_space<hbm>> -> memref<1x1x16384xf32, #tpu.memory_space<hbm>>
        %dma_wait3A_35 = tpu.memref_squeeze %dma_wait3A_34 : memref<1x1x16384xf32, #tpu.memory_space<hbm>> -> memref<16384xf32, #tpu.memory_space<hbm>>
        tpu.wait_dma2 semaphore(%run_scoped3A : memref<!tpu.dma_semaphore, #tpu.memory_space<semaphore_mem>>) src(%dma_wait3A_35 : memref<16384xf32, #tpu.memory_space<hbm>>) dst(%arg6 : memref<16384xf32, #tpu.memory_space<vmem>>)
        tpu.yield
      }) : () -> ()
      %broadcast_in_dim3A = arith.constant 0.000000e+00 : f32
      %broadcast_in_dim3A_5 = vector.broadcast %broadcast_in_dim3A : f32 to vector<16xf32>
      %scan3A = arith.constant 0 : i32
      %scan3A_6 = arith.constant 0 : i32
      %scan3A_7 = arith.constant 512 : i32
      %scan3A_8 = arith.addi %scan3A_6, %scan3A_7 : i32
      %scan3A_9 = arith.constant 1 : i32
      %scan3A_10 = scf.for %scan3A_26 = %scan3A_6 to %scan3A_8 step %scan3A_9 iter_args(%scan3A_27 = %scan3A) -> (i32)  : i32 {
        %mul3A_28 = arith.constant 128 : i32
        %mul3A_29 = arith.muli %scan3A_26, %mul3A_28 : i32
        %add3A_30 = arith.constant 0 : i32
        %add3A_31 = arith.addi %mul3A_29, %add3A_30 : i32
        %multiple_of3A = tpu.assume_multiple %add3A_31, 16 : i32
        %swap3A = arith.index_cast %multiple_of3A : i32 to index
        %swap3A_32 = tpu.vector_load %arg8[%swap3A] {strides = array<i32>} : memref<65536xf32, #tpu.memory_space<vmem>>, vector<16xf32>,
        tpu.vector_store %arg8[%swap3A], %broadcast_in_dim3A_5 {strides = array<i32>} : memref<65536xf32, #tpu.memory_space<vmem>>, vector<16xf32>,
        %mul3A_33 = arith.constant 128 : i32
        %mul3A_34 = arith.muli %scan3A_26, %mul3A_33 : i32
        %add3A_35 = arith.constant 16 : i32
        %add3A_36 = arith.addi %mul3A_34, %add3A_35 : i32
        %multiple_of3A_37 = tpu.assume_multiple %add3A_36, 16 : i32
        %swap3A_38 = arith.index_cast %multiple_of3A_37 : i32 to index
        %swap3A_39 = tpu.vector_load %arg8[%swap3A_38] {strides = array<i32>} : memref<65536xf32, #tpu.memory_space<vmem>>, vector<16xf32>,
        tpu.vector_store %arg8[%swap3A_38], %broadcast_in_dim3A_5 {strides = array<i32>} : memref<65536xf32, #tpu.memory_space<vmem>>, vector<16xf32>,
        %mul3A_40 = arith.constant 128 : i32
        %mul3A_41 = arith.muli %scan3A_26, %mul3A_40 : i32
        %add3A_42 = arith.constant 32 : i32
        %add3A_43 = arith.addi %mul3A_41, %add3A_42 : i32
        %multiple_of3A_44 = tpu.assume_multiple %add3A_43, 16 : i32
        %swap3A_45 = arith.index_cast %multiple_of3A_44 : i32 to index
        %swap3A_46 = tpu.vector_load %arg8[%swap3A_45] {strides = array<i32>} : memref<65536xf32, #tpu.memory_space<vmem>>, vector<16xf32>,
        tpu.vector_store %arg8[%swap3A_45], %broadcast_in_dim3A_5 {strides = array<i32>} : memref<65536xf32, #tpu.memory_space<vmem>>, vector<16xf32>,
        %mul3A_47 = arith.constant 128 : i32
        %mul3A_48 = arith.muli %scan3A_26, %mul3A_47 : i32
        %add3A_49 = arith.constant 48 : i32
        %add3A_50 = arith.addi %mul3A_48, %add3A_49 : i32
        %multiple_of3A_51 = tpu.assume_multiple %add3A_50, 16 : i32
        %swap3A_52 = arith.index_cast %multiple_of3A_51 : i32 to index
        %swap3A_53 = tpu.vector_load %arg8[%swap3A_52] {strides = array<i32>} : memref<65536xf32, #tpu.memory_space<vmem>>, vector<16xf32>,
        tpu.vector_store %arg8[%swap3A_52], %broadcast_in_dim3A_5 {strides = array<i32>} : memref<65536xf32, #tpu.memory_space<vmem>>, vector<16xf32>,
        %mul3A_54 = arith.constant 128 : i32
        %mul3A_55 = arith.muli %scan3A_26, %mul3A_54 : i32
        %add3A_56 = arith.constant 64 : i32
        %add3A_57 = arith.addi %mul3A_55, %add3A_56 : i32
        %multiple_of3A_58 = tpu.assume_multiple %add3A_57, 16 : i32
        %swap3A_59 = arith.index_cast %multiple_of3A_58 : i32 to index
        %swap3A_60 = tpu.vector_load %arg8[%swap3A_59] {strides = array<i32>} : memref<65536xf32, #tpu.memory_space<vmem>>, vector<16xf32>,
        tpu.vector_store %arg8[%swap3A_59], %broadcast_in_dim3A_5 {strides = array<i32>} : memref<65536xf32, #tpu.memory_space<vmem>>, vector<16xf32>,
        %mul3A_61 = arith.constant 128 : i32
        %mul3A_62 = arith.muli %scan3A_26, %mul3A_61 : i32
        %add3A_63 = arith.constant 80 : i32
        %add3A_64 = arith.addi %mul3A_62, %add3A_63 : i32
        %multiple_of3A_65 = tpu.assume_multiple %add3A_64, 16 : i32
        %swap3A_66 = arith.index_cast %multiple_of3A_65 : i32 to index
        %swap3A_67 = tpu.vector_load %arg8[%swap3A_66] {strides = array<i32>} : memref<65536xf32, #tpu.memory_space<vmem>>, vector<16xf32>,
        tpu.vector_store %arg8[%swap3A_66], %broadcast_in_dim3A_5 {strides = array<i32>} : memref<65536xf32, #tpu.memory_space<vmem>>, vector<16xf32>,
        %mul3A_68 = arith.constant 128 : i32
        %mul3A_69 = arith.muli %scan3A_26, %mul3A_68 : i32
        %add3A_70 = arith.constant 96 : i32
        %add3A_71 = arith.addi %mul3A_69, %add3A_70 : i32
        %multiple_of3A_72 = tpu.assume_multiple %add3A_71, 16 : i32
        %swap3A_73 = arith.index_cast %multiple_of3A_72 : i32 to index
        %swap3A_74 = tpu.vector_load %arg8[%swap3A_73] {strides = array<i32>} : memref<65536xf32, #tpu.memory_space<vmem>>, vector<16xf32>,
        tpu.vector_store %arg8[%swap3A_73], %broadcast_in_dim3A_5 {strides = array<i32>} : memref<65536xf32, #tpu.memory_space<vmem>>, vector<16xf32>,
        %mul3A_75 = arith.constant 128 : i32
        %mul3A_76 = arith.muli %scan3A_26, %mul3A_75 : i32
        %add3A_77 = arith.constant 112 : i32
        %add3A_78 = arith.addi %mul3A_76, %add3A_77 : i32
        %multiple_of3A_79 = tpu.assume_multiple %add3A_78, 16 : i32
        %swap3A_80 = arith.index_cast %multiple_of3A_79 : i32 to index
        %swap3A_81 = tpu.vector_load %arg8[%swap3A_80] {strides = array<i32>} : memref<65536xf32, #tpu.memory_space<vmem>>, vector<16xf32>,
        tpu.vector_store %arg8[%swap3A_80], %broadcast_in_dim3A_5 {strides = array<i32>} : memref<65536xf32, #tpu.memory_space<vmem>>, vector<16xf32>,
        %scan3A_82 = arith.constant 0 : i32
        scf.yield %scan3A_82 : i32
      }
      %scan3A_11 = arith.constant 512 : i32
      %scan3A_12 = arith.constant 0 : i32
      %scan3A_13 = arith.constant 0 : i32
      %scan3A_14 = arith.constant 128 : i32
      %scan3A_15 = arith.addi %scan3A_13, %scan3A_14 : i32
      %scan3A_16 = arith.constant 1 : i32
      %scan3A_17 = scf.for %scan3A_26 = %scan3A_13 to %scan3A_15 step %scan3A_16 iter_args(%scan3A_27 = %scan3A_12) -> (i32)  : i32 {
        %mul3A_28 = arith.constant 128 : i32
        %mul3A_29 = arith.muli %scan3A_26, %mul3A_28 : i32
        %add3A_30 = arith.constant 0 : i32
        %add3A_31 = arith.addi %mul3A_29, %add3A_30 : i32
        %multiple_of3A = tpu.assume_multiple %add3A_31, 16 : i32
        %get3A = arith.index_cast %multiple_of3A : i32 to index
        %get3A_32 = tpu.vector_load %arg5[%get3A] {strides = array<i32>} : memref<16384xi32, #tpu.memory_space<vmem>>, vector<16xi32>,
        %get3A_33 = arith.index_cast %multiple_of3A : i32 to index
        %get3A_34 = tpu.vector_load %arg6[%get3A_33] {strides = array<i32>} : memref<16384xf32, #tpu.memory_space<vmem>>, vector<16xf32>,
        tpu.vector_store_idx %arg8[%get3A_32], %get3A_34 {add = true} : memref<65536xf32, #tpu.memory_space<vmem>>[vector<16xi32>], vector<16xf32>,
        %mul3A_35 = arith.constant 128 : i32
        %mul3A_36 = arith.muli %scan3A_26, %mul3A_35 : i32
        %add3A_37 = arith.constant 16 : i32
        %add3A_38 = arith.addi %mul3A_36, %add3A_37 : i32
        %multiple_of3A_39 = tpu.assume_multiple %add3A_38, 16 : i32
        %get3A_40 = arith.index_cast %multiple_of3A_39 : i32 to index
        %get3A_41 = tpu.vector_load %arg5[%get3A_40] {strides = array<i32>} : memref<16384xi32, #tpu.memory_space<vmem>>, vector<16xi32>,
        %get3A_42 = arith.index_cast %multiple_of3A_39 : i32 to index
        %get3A_43 = tpu.vector_load %arg6[%get3A_42] {strides = array<i32>} : memref<16384xf32, #tpu.memory_space<vmem>>, vector<16xf32>,
        tpu.vector_store_idx %arg8[%get3A_41], %get3A_43 {add = true} : memref<65536xf32, #tpu.memory_space<vmem>>[vector<16xi32>], vector<16xf32>,
        %mul3A_44 = arith.constant 128 : i32
        %mul3A_45 = arith.muli %scan3A_26, %mul3A_44 : i32
        %add3A_46 = arith.constant 32 : i32
        %add3A_47 = arith.addi %mul3A_45, %add3A_46 : i32
        %multiple_of3A_48 = tpu.assume_multiple %add3A_47, 16 : i32
        %get3A_49 = arith.index_cast %multiple_of3A_48 : i32 to index
        %get3A_50 = tpu.vector_load %arg5[%get3A_49] {strides = array<i32>} : memref<16384xi32, #tpu.memory_space<vmem>>, vector<16xi32>,
        %get3A_51 = arith.index_cast %multiple_of3A_48 : i32 to index
        %get3A_52 = tpu.vector_load %arg6[%get3A_51] {strides = array<i32>} : memref<16384xf32, #tpu.memory_space<vmem>>, vector<16xf32>,
        tpu.vector_store_idx %arg8[%get3A_50], %get3A_52 {add = true} : memref<65536xf32, #tpu.memory_space<vmem>>[vector<16xi32>], vector<16xf32>,
        %mul3A_53 = arith.constant 128 : i32
        %mul3A_54 = arith.muli %scan3A_26, %mul3A_53 : i32
        %add3A_55 = arith.constant 48 : i32
        %add3A_56 = arith.addi %mul3A_54, %add3A_55 : i32
        %multiple_of3A_57 = tpu.assume_multiple %add3A_56, 16 : i32
        %get3A_58 = arith.index_cast %multiple_of3A_57 : i32 to index
        %get3A_59 = tpu.vector_load %arg5[%get3A_58] {strides = array<i32>} : memref<16384xi32, #tpu.memory_space<vmem>>, vector<16xi32>,
        %get3A_60 = arith.index_cast %multiple_of3A_57 : i32 to index
        %get3A_61 = tpu.vector_load %arg6[%get3A_60] {strides = array<i32>} : memref<16384xf32, #tpu.memory_space<vmem>>, vector<16xf32>,
        tpu.vector_store_idx %arg8[%get3A_59], %get3A_61 {add = true} : memref<65536xf32, #tpu.memory_space<vmem>>[vector<16xi32>], vector<16xf32>,
        %mul3A_62 = arith.constant 128 : i32
        %mul3A_63 = arith.muli %scan3A_26, %mul3A_62 : i32
        %add3A_64 = arith.constant 64 : i32
        %add3A_65 = arith.addi %mul3A_63, %add3A_64 : i32
        %multiple_of3A_66 = tpu.assume_multiple %add3A_65, 16 : i32
        %get3A_67 = arith.index_cast %multiple_of3A_66 : i32 to index
        %get3A_68 = tpu.vector_load %arg5[%get3A_67] {strides = array<i32>} : memref<16384xi32, #tpu.memory_space<vmem>>, vector<16xi32>,
        %get3A_69 = arith.index_cast %multiple_of3A_66 : i32 to index
        %get3A_70 = tpu.vector_load %arg6[%get3A_69] {strides = array<i32>} : memref<16384xf32, #tpu.memory_space<vmem>>, vector<16xf32>,
        tpu.vector_store_idx %arg8[%get3A_68], %get3A_70 {add = true} : memref<65536xf32, #tpu.memory_space<vmem>>[vector<16xi32>], vector<16xf32>,
        %mul3A_71 = arith.constant 128 : i32
        %mul3A_72 = arith.muli %scan3A_26, %mul3A_71 : i32
        %add3A_73 = arith.constant 80 : i32
        %add3A_74 = arith.addi %mul3A_72, %add3A_73 : i32
        %multiple_of3A_75 = tpu.assume_multiple %add3A_74, 16 : i32
        %get3A_76 = arith.index_cast %multiple_of3A_75 : i32 to index
        %get3A_77 = tpu.vector_load %arg5[%get3A_76] {strides = array<i32>} : memref<16384xi32, #tpu.memory_space<vmem>>, vector<16xi32>,
        %get3A_78 = arith.index_cast %multiple_of3A_75 : i32 to index
        %get3A_79 = tpu.vector_load %arg6[%get3A_78] {strides = array<i32>} : memref<16384xf32, #tpu.memory_space<vmem>>, vector<16xf32>,
        tpu.vector_store_idx %arg8[%get3A_77], %get3A_79 {add = true} : memref<65536xf32, #tpu.memory_space<vmem>>[vector<16xi32>], vector<16xf32>,
        %mul3A_80 = arith.constant 128 : i32
        %mul3A_81 = arith.muli %scan3A_26, %mul3A_80 : i32
        %add3A_82 = arith.constant 96 : i32
        %add3A_83 = arith.addi %mul3A_81, %add3A_82 : i32
        %multiple_of3A_84 = tpu.assume_multiple %add3A_83, 16 : i32
        %get3A_85 = arith.index_cast %multiple_of3A_84 : i32 to index
        %get3A_86 = tpu.vector_load %arg5[%get3A_85] {strides = array<i32>} : memref<16384xi32, #tpu.memory_space<vmem>>, vector<16xi32>,
        %get3A_87 = arith.index_cast %multiple_of3A_84 : i32 to index
        %get3A_88 = tpu.vector_load %arg6[%get3A_87] {strides = array<i32>} : memref<16384xf32, #tpu.memory_space<vmem>>, vector<16xf32>,
        tpu.vector_store_idx %arg8[%get3A_86], %get3A_88 {add = true} : memref<65536xf32, #tpu.memory_space<vmem>>[vector<16xi32>], vector<16xf32>,
        %mul3A_89 = arith.constant 128 : i32
        %mul3A_90 = arith.muli %scan3A_26, %mul3A_89 : i32
        %add3A_91 = arith.constant 112 : i32
        %add3A_92 = arith.addi %mul3A_90, %add3A_91 : i32
        %multiple_of3A_93 = tpu.assume_multiple %add3A_92, 16 : i32
        %get3A_94 = arith.index_cast %multiple_of3A_93 : i32 to index
        %get3A_95 = tpu.vector_load %arg5[%get3A_94] {strides = array<i32>} : memref<16384xi32, #tpu.memory_space<vmem>>, vector<16xi32>,
        %get3A_96 = arith.index_cast %multiple_of3A_93 : i32 to index
        %get3A_97 = tpu.vector_load %arg6[%get3A_96] {strides = array<i32>} : memref<16384xf32, #tpu.memory_space<vmem>>, vector<16xf32>,
        tpu.vector_store_idx %arg8[%get3A_95], %get3A_97 {add = true} : memref<65536xf32, #tpu.memory_space<vmem>>[vector<16xi32>], vector<16xf32>,
        %scan3A_98 = arith.constant 0 : i32
        scf.yield %scan3A_98 : i32
      }
      %scan3A_18 = arith.constant 128 : i32
      %scan3A_19 = arith.constant 0 : i32
      %scan3A_20 = arith.constant 0 : i32
      %scan3A_21 = arith.constant 128 : i32
      %scan3A_22 = arith.addi %scan3A_20, %scan3A_21 : i32
      %scan3A_23 = arith.constant 1 : i32
      %scan3A_24 = scf.for %scan3A_26 = %scan3A_20 to %scan3A_22 step %scan3A_23 iter_args(%scan3A_27 = %scan3A_19) -> (i32)  : i32 {
        %mul3A_28 = arith.constant 128 : i32
        %mul3A_29 = arith.muli %scan3A_26, %mul3A_28 : i32
        %add3A_30 = arith.constant 0 : i32
        %add3A_31 = arith.addi %mul3A_29, %add3A_30 : i32
        %multiple_of3A = tpu.assume_multiple %add3A_31, 16 : i32
        %get3A = arith.index_cast %multiple_of3A : i32 to index
        %get3A_32 = tpu.vector_load %arg5[%get3A] {strides = array<i32>} : memref<16384xi32, #tpu.memory_space<vmem>>, vector<16xi32>,
        %gather3A = tpu.vector_load_idx %arg8[%get3A_32] : memref<65536xf32, #tpu.memory_space<vmem>>[vector<16xi32>], vector<16xf32>,
        %swap3A = arith.index_cast %multiple_of3A : i32 to index
        %swap3A_33 = tpu.vector_load %arg7[%swap3A] {strides = array<i32>} : memref<16384xf32, #tpu.memory_space<vmem>>, vector<16xf32>,
        tpu.vector_store %arg7[%swap3A], %gather3A {strides = array<i32>} : memref<16384xf32, #tpu.memory_space<vmem>>, vector<16xf32>,
        %mul3A_34 = arith.constant 128 : i32
        %mul3A_35 = arith.muli %scan3A_26, %mul3A_34 : i32
        %add3A_36 = arith.constant 16 : i32
        %add3A_37 = arith.addi %mul3A_35, %add3A_36 : i32
        %multiple_of3A_38 = tpu.assume_multiple %add3A_37, 16 : i32
        %get3A_39 = arith.index_cast %multiple_of3A_38 : i32 to index
        %get3A_40 = tpu.vector_load %arg5[%get3A_39] {strides = array<i32>} : memref<16384xi32, #tpu.memory_space<vmem>>, vector<16xi32>,
        %gather3A_41 = tpu.vector_load_idx %arg8[%get3A_40] : memref<65536xf32, #tpu.memory_space<vmem>>[vector<16xi32>], vector<16xf32>,
        %swap3A_42 = arith.index_cast %multiple_of3A_38 : i32 to index
        %swap3A_43 = tpu.vector_load %arg7[%swap3A_42] {strides = array<i32>} : memref<16384xf32, #tpu.memory_space<vmem>>, vector<16xf32>,
        tpu.vector_store %arg7[%swap3A_42], %gather3A_41 {strides = array<i32>} : memref<16384xf32, #tpu.memory_space<vmem>>, vector<16xf32>,
        %mul3A_44 = arith.constant 128 : i32
        %mul3A_45 = arith.muli %scan3A_26, %mul3A_44 : i32
        %add3A_46 = arith.constant 32 : i32
        %add3A_47 = arith.addi %mul3A_45, %add3A_46 : i32
        %multiple_of3A_48 = tpu.assume_multiple %add3A_47, 16 : i32
        %get3A_49 = arith.index_cast %multiple_of3A_48 : i32 to index
        %get3A_50 = tpu.vector_load %arg5[%get3A_49] {strides = array<i32>} : memref<16384xi32, #tpu.memory_space<vmem>>, vector<16xi32>,
        %gather3A_51 = tpu.vector_load_idx %arg8[%get3A_50] : memref<65536xf32, #tpu.memory_space<vmem>>[vector<16xi32>], vector<16xf32>,
        %swap3A_52 = arith.index_cast %multiple_of3A_48 : i32 to index
        %swap3A_53 = tpu.vector_load %arg7[%swap3A_52] {strides = array<i32>} : memref<16384xf32, #tpu.memory_space<vmem>>, vector<16xf32>,
        tpu.vector_store %arg7[%swap3A_52], %gather3A_51 {strides = array<i32>} : memref<16384xf32, #tpu.memory_space<vmem>>, vector<16xf32>,
        %mul3A_54 = arith.constant 128 : i32
        %mul3A_55 = arith.muli %scan3A_26, %mul3A_54 : i32
        %add3A_56 = arith.constant 48 : i32
        %add3A_57 = arith.addi %mul3A_55, %add3A_56 : i32
        %multiple_of3A_58 = tpu.assume_multiple %add3A_57, 16 : i32
        %get3A_59 = arith.index_cast %multiple_of3A_58 : i32 to index
        %get3A_60 = tpu.vector_load %arg5[%get3A_59] {strides = array<i32>} : memref<16384xi32, #tpu.memory_space<vmem>>, vector<16xi32>,
        %gather3A_61 = tpu.vector_load_idx %arg8[%get3A_60] : memref<65536xf32, #tpu.memory_space<vmem>>[vector<16xi32>], vector<16xf32>,
        %swap3A_62 = arith.index_cast %multiple_of3A_58 : i32 to index
        %swap3A_63 = tpu.vector_load %arg7[%swap3A_62] {strides = array<i32>} : memref<16384xf32, #tpu.memory_space<vmem>>, vector<16xf32>,
        tpu.vector_store %arg7[%swap3A_62], %gather3A_61 {strides = array<i32>} : memref<16384xf32, #tpu.memory_space<vmem>>, vector<16xf32>,
        %mul3A_64 = arith.constant 128 : i32
        %mul3A_65 = arith.muli %scan3A_26, %mul3A_64 : i32
        %add3A_66 = arith.constant 64 : i32
        %add3A_67 = arith.addi %mul3A_65, %add3A_66 : i32
        %multiple_of3A_68 = tpu.assume_multiple %add3A_67, 16 : i32
        %get3A_69 = arith.index_cast %multiple_of3A_68 : i32 to index
        %get3A_70 = tpu.vector_load %arg5[%get3A_69] {strides = array<i32>} : memref<16384xi32, #tpu.memory_space<vmem>>, vector<16xi32>,
        %gather3A_71 = tpu.vector_load_idx %arg8[%get3A_70] : memref<65536xf32, #tpu.memory_space<vmem>>[vector<16xi32>], vector<16xf32>,
        %swap3A_72 = arith.index_cast %multiple_of3A_68 : i32 to index
        %swap3A_73 = tpu.vector_load %arg7[%swap3A_72] {strides = array<i32>} : memref<16384xf32, #tpu.memory_space<vmem>>, vector<16xf32>,
        tpu.vector_store %arg7[%swap3A_72], %gather3A_71 {strides = array<i32>} : memref<16384xf32, #tpu.memory_space<vmem>>, vector<16xf32>,
        %mul3A_74 = arith.constant 128 : i32
        %mul3A_75 = arith.muli %scan3A_26, %mul3A_74 : i32
        %add3A_76 = arith.constant 80 : i32
        %add3A_77 = arith.addi %mul3A_75, %add3A_76 : i32
        %multiple_of3A_78 = tpu.assume_multiple %add3A_77, 16 : i32
        %get3A_79 = arith.index_cast %multiple_of3A_78 : i32 to index
        %get3A_80 = tpu.vector_load %arg5[%get3A_79] {strides = array<i32>} : memref<16384xi32, #tpu.memory_space<vmem>>, vector<16xi32>,
        %gather3A_81 = tpu.vector_load_idx %arg8[%get3A_80] : memref<65536xf32, #tpu.memory_space<vmem>>[vector<16xi32>], vector<16xf32>,
        %swap3A_82 = arith.index_cast %multiple_of3A_78 : i32 to index
        %swap3A_83 = tpu.vector_load %arg7[%swap3A_82] {strides = array<i32>} : memref<16384xf32, #tpu.memory_space<vmem>>, vector<16xf32>,
        tpu.vector_store %arg7[%swap3A_82], %gather3A_81 {strides = array<i32>} : memref<16384xf32, #tpu.memory_space<vmem>>, vector<16xf32>,
        %mul3A_84 = arith.constant 128 : i32
        %mul3A_85 = arith.muli %scan3A_26, %mul3A_84 : i32
        %add3A_86 = arith.constant 96 : i32
        %add3A_87 = arith.addi %mul3A_85, %add3A_86 : i32
        %multiple_of3A_88 = tpu.assume_multiple %add3A_87, 16 : i32
        %get3A_89 = arith.index_cast %multiple_of3A_88 : i32 to index
        %get3A_90 = tpu.vector_load %arg5[%get3A_89] {strides = array<i32>} : memref<16384xi32, #tpu.memory_space<vmem>>, vector<16xi32>,
        %gather3A_91 = tpu.vector_load_idx %arg8[%get3A_90] : memref<65536xf32, #tpu.memory_space<vmem>>[vector<16xi32>], vector<16xf32>,
        %swap3A_92 = arith.index_cast %multiple_of3A_88 : i32 to index
        %swap3A_93 = tpu.vector_load %arg7[%swap3A_92] {strides = array<i32>} : memref<16384xf32, #tpu.memory_space<vmem>>, vector<16xf32>,
        tpu.vector_store %arg7[%swap3A_92], %gather3A_91 {strides = array<i32>} : memref<16384xf32, #tpu.memory_space<vmem>>, vector<16xf32>,
        %mul3A_94 = arith.constant 128 : i32
        %mul3A_95 = arith.muli %scan3A_26, %mul3A_94 : i32
        %add3A_96 = arith.constant 112 : i32
        %add3A_97 = arith.addi %mul3A_95, %add3A_96 : i32
        %multiple_of3A_98 = tpu.assume_multiple %add3A_97, 16 : i32
        %get3A_99 = arith.index_cast %multiple_of3A_98 : i32 to index
        %get3A_100 = tpu.vector_load %arg5[%get3A_99] {strides = array<i32>} : memref<16384xi32, #tpu.memory_space<vmem>>, vector<16xi32>,
        %gather3A_101 = tpu.vector_load_idx %arg8[%get3A_100] : memref<65536xf32, #tpu.memory_space<vmem>>[vector<16xi32>], vector<16xf32>,
        %swap3A_102 = arith.index_cast %multiple_of3A_98 : i32 to index
        %swap3A_103 = tpu.vector_load %arg7[%swap3A_102] {strides = array<i32>} : memref<16384xf32, #tpu.memory_space<vmem>>, vector<16xf32>,
        tpu.vector_store %arg7[%swap3A_102], %gather3A_101 {strides = array<i32>} : memref<16384xf32, #tpu.memory_space<vmem>>, vector<16xf32>,
        %scan3A_104 = arith.constant 0 : i32
        scf.yield %scan3A_104 : i32
      }
      %scan3A_25 = arith.constant 128 : i32
      "tpu.region"() ({
        %run_scoped3A = tpu.sem_alloc : memref<!tpu.dma_semaphore, #tpu.memory_space<semaphore_mem>>
        %dma_start3A = arith.constant 0 : i32
        %dma_start3A_26 = tpu.memref_slice %arg4[%add3A, %rem3A_4, %dma_start3A] : memref<4x4x16384xf32, #tpu.memory_space<hbm>> -> memref<1x1x16384xf32, #tpu.memory_space<hbm>>
        %dma_start3A_27 = tpu.memref_squeeze %dma_start3A_26 : memref<1x1x16384xf32, #tpu.memory_space<hbm>> -> memref<16384xf32, #tpu.memory_space<hbm>>
        %dma_start3A_28 = arith.constant 0 : i32
        %dma_start3A_29 = tpu.memref_slice %arg4[%add3A, %rem3A_4, %dma_start3A_28] : memref<4x4x16384xf32, #tpu.memory_space<hbm>> -> memref<1x1x16384xf32, #tpu.memory_space<hbm>>
        %dma_start3A_30 = tpu.memref_squeeze %dma_start3A_29 : memref<1x1x16384xf32, #tpu.memory_space<hbm>> -> memref<16384xf32, #tpu.memory_space<hbm>>
        tpu.enqueue_dma source(%arg7 : memref<16384xf32, #tpu.memory_space<vmem>>) target(%dma_start3A_30 : memref<16384xf32, #tpu.memory_space<hbm>>) target_semaphore(%run_scoped3A : memref<!tpu.dma_semaphore, #tpu.memory_space<semaphore_mem>>)
        %dma_wait3A = arith.constant 0 : i32
        %dma_wait3A_31 = tpu.memref_slice %arg4[%add3A, %rem3A_4, %dma_wait3A] : memref<4x4x16384xf32, #tpu.memory_space<hbm>> -> memref<1x1x16384xf32, #tpu.memory_space<hbm>>
        %dma_wait3A_32 = tpu.memref_squeeze %dma_wait3A_31 : memref<1x1x16384xf32, #tpu.memory_space<hbm>> -> memref<16384xf32, #tpu.memory_space<hbm>>
        %dma_wait3A_33 = arith.constant 0 : i32
        %dma_wait3A_34 = tpu.memref_slice %arg4[%add3A, %rem3A_4, %dma_wait3A_33] : memref<4x4x16384xf32, #tpu.memory_space<hbm>> -> memref<1x1x16384xf32, #tpu.memory_space<hbm>>
        %dma_wait3A_35 = tpu.memref_squeeze %dma_wait3A_34 : memref<1x1x16384xf32, #tpu.memory_space<hbm>> -> memref<16384xf32, #tpu.memory_space<hbm>>
        tpu.wait_dma2 semaphore(%run_scoped3A : memref<!tpu.dma_semaphore, #tpu.memory_space<semaphore_mem>>) src(%arg7 : memref<16384xf32, #tpu.memory_space<vmem>>) dst(%dma_wait3A_35 : memref<16384xf32, #tpu.memory_space<hbm>>)
        tpu.yield
      }) : () -> ()
    } else {
    }
    return
  }
}

#map = affine_map<(d0, d1) -> (0, 0, 0)>
#map1 = affine_map<(d0, d1) -> (0, 0)>
module attributes {stable_mosaic.version = 14 : i64} {
  func.func @_sc_d_body(%arg0: i32, %arg1: i32, %arg2: memref<4x64x16384xf32, #tpu.memory_space<hbm>>, %arg3: memref<4x16384xi32, #tpu.memory_space<hbm>>, %arg4: memref<4x64x65536xf32, #tpu.memory_space<hbm>>, %arg5: memref<16384xi32, #tpu.memory_space<vmem>>, %arg6: memref<16384xf32, #tpu.memory_space<vmem>>, %arg7: memref<65536xf32, #tpu.memory_space<vmem>>) attributes {dimension_semantics = [#tpu.dimension_semantics<core_parallel>, #tpu.dimension_semantics<subcore_parallel>], iteration_bounds = array<i64: 2, 16>, scalar_prefetch = 0 : i64, scratch_operands = 3 : i64, tpu.core_type = #tpu.core_type<sc_vector_subcore>, window_params = [{transform_indices = #map}, {transform_indices = #map1}, {transform_indices = #map}]} {
    %broadcast_in_dim3A = arith.constant 0.000000e+00 : f32
    %broadcast_in_dim3A_0 = vector.broadcast %broadcast_in_dim3A : f32 to vector<16xf32>
    %scan3A = arith.constant 0 : i32
    %scan3A_1 = arith.constant 0 : i32
    %scan3A_2 = arith.constant 512 : i32
    %scan3A_3 = arith.addi %scan3A_1, %scan3A_2 : i32
    %scan3A_4 = arith.constant 1 : i32
    %scan3A_5 = scf.for %scan3A_14 = %scan3A_1 to %scan3A_3 step %scan3A_4 iter_args(%scan3A_15 = %scan3A) -> (i32)  : i32 {
      %mul3A = arith.constant 128 : i32
      %mul3A_16 = arith.muli %scan3A_14, %mul3A : i32
      %add3A = arith.constant 0 : i32
      %add3A_17 = arith.addi %mul3A_16, %add3A : i32
      %multiple_of3A = tpu.assume_multiple %add3A_17, 16 : i32
      %swap3A = arith.index_cast %multiple_of3A : i32 to index
      %swap3A_18 = tpu.vector_load %arg7[%swap3A] {strides = array<i32>} : memref<65536xf32, #tpu.memory_space<vmem>>, vector<16xf32>,
      tpu.vector_store %arg7[%swap3A], %broadcast_in_dim3A_0 {strides = array<i32>} : memref<65536xf32, #tpu.memory_space<vmem>>, vector<16xf32>,
      %mul3A_19 = arith.constant 128 : i32
      %mul3A_20 = arith.muli %scan3A_14, %mul3A_19 : i32
      %add3A_21 = arith.constant 16 : i32
      %add3A_22 = arith.addi %mul3A_20, %add3A_21 : i32
      %multiple_of3A_23 = tpu.assume_multiple %add3A_22, 16 : i32
      %swap3A_24 = arith.index_cast %multiple_of3A_23 : i32 to index
      %swap3A_25 = tpu.vector_load %arg7[%swap3A_24] {strides = array<i32>} : memref<65536xf32, #tpu.memory_space<vmem>>, vector<16xf32>,
      tpu.vector_store %arg7[%swap3A_24], %broadcast_in_dim3A_0 {strides = array<i32>} : memref<65536xf32, #tpu.memory_space<vmem>>, vector<16xf32>,
      %mul3A_26 = arith.constant 128 : i32
      %mul3A_27 = arith.muli %scan3A_14, %mul3A_26 : i32
      %add3A_28 = arith.constant 32 : i32
      %add3A_29 = arith.addi %mul3A_27, %add3A_28 : i32
      %multiple_of3A_30 = tpu.assume_multiple %add3A_29, 16 : i32
      %swap3A_31 = arith.index_cast %multiple_of3A_30 : i32 to index
      %swap3A_32 = tpu.vector_load %arg7[%swap3A_31] {strides = array<i32>} : memref<65536xf32, #tpu.memory_space<vmem>>, vector<16xf32>,
      tpu.vector_store %arg7[%swap3A_31], %broadcast_in_dim3A_0 {strides = array<i32>} : memref<65536xf32, #tpu.memory_space<vmem>>, vector<16xf32>,
      %mul3A_33 = arith.constant 128 : i32
      %mul3A_34 = arith.muli %scan3A_14, %mul3A_33 : i32
      %add3A_35 = arith.constant 48 : i32
      %add3A_36 = arith.addi %mul3A_34, %add3A_35 : i32
      %multiple_of3A_37 = tpu.assume_multiple %add3A_36, 16 : i32
      %swap3A_38 = arith.index_cast %multiple_of3A_37 : i32 to index
      %swap3A_39 = tpu.vector_load %arg7[%swap3A_38] {strides = array<i32>} : memref<65536xf32, #tpu.memory_space<vmem>>, vector<16xf32>,
      tpu.vector_store %arg7[%swap3A_38], %broadcast_in_dim3A_0 {strides = array<i32>} : memref<65536xf32, #tpu.memory_space<vmem>>, vector<16xf32>,
      %mul3A_40 = arith.constant 128 : i32
      %mul3A_41 = arith.muli %scan3A_14, %mul3A_40 : i32
      %add3A_42 = arith.constant 64 : i32
      %add3A_43 = arith.addi %mul3A_41, %add3A_42 : i32
      %multiple_of3A_44 = tpu.assume_multiple %add3A_43, 16 : i32
      %swap3A_45 = arith.index_cast %multiple_of3A_44 : i32 to index
      %swap3A_46 = tpu.vector_load %arg7[%swap3A_45] {strides = array<i32>} : memref<65536xf32, #tpu.memory_space<vmem>>, vector<16xf32>,
      tpu.vector_store %arg7[%swap3A_45], %broadcast_in_dim3A_0 {strides = array<i32>} : memref<65536xf32, #tpu.memory_space<vmem>>, vector<16xf32>,
      %mul3A_47 = arith.constant 128 : i32
      %mul3A_48 = arith.muli %scan3A_14, %mul3A_47 : i32
      %add3A_49 = arith.constant 80 : i32
      %add3A_50 = arith.addi %mul3A_48, %add3A_49 : i32
      %multiple_of3A_51 = tpu.assume_multiple %add3A_50, 16 : i32
      %swap3A_52 = arith.index_cast %multiple_of3A_51 : i32 to index
      %swap3A_53 = tpu.vector_load %arg7[%swap3A_52] {strides = array<i32>} : memref<65536xf32, #tpu.memory_space<vmem>>, vector<16xf32>,
      tpu.vector_store %arg7[%swap3A_52], %broadcast_in_dim3A_0 {strides = array<i32>} : memref<65536xf32, #tpu.memory_space<vmem>>, vector<16xf32>,
      %mul3A_54 = arith.constant 128 : i32
      %mul3A_55 = arith.muli %scan3A_14, %mul3A_54 : i32
      %add3A_56 = arith.constant 96 : i32
      %add3A_57 = arith.addi %mul3A_55, %add3A_56 : i32
      %multiple_of3A_58 = tpu.assume_multiple %add3A_57, 16 : i32
      %swap3A_59 = arith.index_cast %multiple_of3A_58 : i32 to index
      %swap3A_60 = tpu.vector_load %arg7[%swap3A_59] {strides = array<i32>} : memref<65536xf32, #tpu.memory_space<vmem>>, vector<16xf32>,
      tpu.vector_store %arg7[%swap3A_59], %broadcast_in_dim3A_0 {strides = array<i32>} : memref<65536xf32, #tpu.memory_space<vmem>>, vector<16xf32>,
      %mul3A_61 = arith.constant 128 : i32
      %mul3A_62 = arith.muli %scan3A_14, %mul3A_61 : i32
      %add3A_63 = arith.constant 112 : i32
      %add3A_64 = arith.addi %mul3A_62, %add3A_63 : i32
      %multiple_of3A_65 = tpu.assume_multiple %add3A_64, 16 : i32
      %swap3A_66 = arith.index_cast %multiple_of3A_65 : i32 to index
      %swap3A_67 = tpu.vector_load %arg7[%swap3A_66] {strides = array<i32>} : memref<65536xf32, #tpu.memory_space<vmem>>, vector<16xf32>,
      tpu.vector_store %arg7[%swap3A_66], %broadcast_in_dim3A_0 {strides = array<i32>} : memref<65536xf32, #tpu.memory_space<vmem>>, vector<16xf32>,
      %scan3A_68 = arith.constant 0 : i32
      scf.yield %scan3A_68 : i32
    }
    %scan3A_6 = arith.constant 512 : i32
    %scan3A_7 = arith.constant 0 : i32
    %scan3A_8 = arith.constant 0 : i32
    %scan3A_9 = arith.constant 8 : i32
    %scan3A_10 = arith.addi %scan3A_8, %scan3A_9 : i32
    %scan3A_11 = arith.constant 1 : i32
    %scan3A_12 = scf.for %scan3A_14 = %scan3A_8 to %scan3A_10 step %scan3A_11 iter_args(%scan3A_15 = %scan3A_7) -> (i32)  : i32 {
      %mul3A = arith.constant 2 : i32
      %mul3A_16 = arith.muli %arg0, %mul3A : i32
      %div3A = arith.constant 4 : i32
      %div3A_17 = arith.divsi %scan3A_14, %div3A : i32
      %add3A = arith.addi %mul3A_16, %div3A_17 : i32
      %rem3A = arith.constant 4 : i32
      %rem3A_18 = arith.remsi %scan3A_14, %rem3A : i32
      %mul3A_19 = arith.constant 16 : i32
      %mul3A_20 = arith.muli %rem3A_18, %mul3A_19 : i32
      %add3A_21 = arith.addi %mul3A_20, %arg1 : i32
      %eq3A = arith.constant 0 : i32
      %eq3A_22 = arith.cmpi eq, %rem3A_18, %eq3A : i32
      %convert_element_type3A = arith.extui %eq3A_22 : i1 to i32
      %cond3A = arith.constant 0 : i32
      %cond3A_23 = arith.cmpi ne, %convert_element_type3A, %cond3A : i32
      scf.if %cond3A_23 {
        "tpu.region"() ({
          %run_scoped3A = tpu.sem_alloc : memref<!tpu.dma_semaphore, #tpu.memory_space<semaphore_mem>>
          %dma_start3A = arith.constant 0 : i32
          %dma_start3A_41 = tpu.memref_slice %arg3[%add3A, %dma_start3A] : memref<4x16384xi32, #tpu.memory_space<hbm>> -> memref<1x16384xi32, #tpu.memory_space<hbm>>
          %dma_start3A_42 = tpu.memref_squeeze %dma_start3A_41 : memref<1x16384xi32, #tpu.memory_space<hbm>> -> memref<16384xi32, #tpu.memory_space<hbm>>
          %dma_start3A_43 = arith.constant 0 : i32
          %dma_start3A_44 = tpu.memref_slice %arg3[%add3A, %dma_start3A_43] : memref<4x16384xi32, #tpu.memory_space<hbm>> -> memref<1x16384xi32, #tpu.memory_space<hbm>>
          %dma_start3A_45 = tpu.memref_squeeze %dma_start3A_44 : memref<1x16384xi32, #tpu.memory_space<hbm>> -> memref<16384xi32, #tpu.memory_space<hbm>>
          tpu.enqueue_dma source(%dma_start3A_45 : memref<16384xi32, #tpu.memory_space<hbm>>) target(%arg5 : memref<16384xi32, #tpu.memory_space<vmem>>) target_semaphore(%run_scoped3A : memref<!tpu.dma_semaphore, #tpu.memory_space<semaphore_mem>>)
          %dma_wait3A = arith.constant 0 : i32
          %dma_wait3A_46 = tpu.memref_slice %arg3[%add3A, %dma_wait3A] : memref<4x16384xi32, #tpu.memory_space<hbm>> -> memref<1x16384xi32, #tpu.memory_space<hbm>>
          %dma_wait3A_47 = tpu.memref_squeeze %dma_wait3A_46 : memref<1x16384xi32, #tpu.memory_space<hbm>> -> memref<16384xi32, #tpu.memory_space<hbm>>
          %dma_wait3A_48 = arith.constant 0 : i32
          %dma_wait3A_49 = tpu.memref_slice %arg3[%add3A, %dma_wait3A_48] : memref<4x16384xi32, #tpu.memory_space<hbm>> -> memref<1x16384xi32, #tpu.memory_space<hbm>>
          %dma_wait3A_50 = tpu.memref_squeeze %dma_wait3A_49 : memref<1x16384xi32, #tpu.memory_space<hbm>> -> memref<16384xi32, #tpu.memory_space<hbm>>
          tpu.wait_dma2 semaphore(%run_scoped3A : memref<!tpu.dma_semaphore, #tpu.memory_space<semaphore_mem>>) src(%dma_wait3A_50 : memref<16384xi32, #tpu.memory_space<hbm>>) dst(%arg5 : memref<16384xi32, #tpu.memory_space<vmem>>)
          tpu.yield
        }) : () -> ()
      } else {
      }
      "tpu.region"() ({
        %run_scoped3A = tpu.sem_alloc : memref<!tpu.dma_semaphore, #tpu.memory_space<semaphore_mem>>
        %dma_start3A = arith.constant 0 : i32
        %dma_start3A_41 = tpu.memref_slice %arg2[%add3A, %add3A_21, %dma_start3A] : memref<4x64x16384xf32, #tpu.memory_space<hbm>> -> memref<1x1x16384xf32, #tpu.memory_space<hbm>>
        %dma_start3A_42 = tpu.memref_squeeze %dma_start3A_41 : memref<1x1x16384xf32, #tpu.memory_space<hbm>> -> memref<16384xf32, #tpu.memory_space<hbm>>
        %dma_start3A_43 = arith.constant 0 : i32
        %dma_start3A_44 = tpu.memref_slice %arg2[%add3A, %add3A_21, %dma_start3A_43] : memref<4x64x16384xf32, #tpu.memory_space<hbm>> -> memref<1x1x16384xf32, #tpu.memory_space<hbm>>
        %dma_start3A_45 = tpu.memref_squeeze %dma_start3A_44 : memref<1x1x16384xf32, #tpu.memory_space<hbm>> -> memref<16384xf32, #tpu.memory_space<hbm>>
        tpu.enqueue_dma source(%dma_start3A_45 : memref<16384xf32, #tpu.memory_space<hbm>>) target(%arg6 : memref<16384xf32, #tpu.memory_space<vmem>>) target_semaphore(%run_scoped3A : memref<!tpu.dma_semaphore, #tpu.memory_space<semaphore_mem>>)
        %dma_wait3A = arith.constant 0 : i32
        %dma_wait3A_46 = tpu.memref_slice %arg2[%add3A, %add3A_21, %dma_wait3A] : memref<4x64x16384xf32, #tpu.memory_space<hbm>> -> memref<1x1x16384xf32, #tpu.memory_space<hbm>>
        %dma_wait3A_47 = tpu.memref_squeeze %dma_wait3A_46 : memref<1x1x16384xf32, #tpu.memory_space<hbm>> -> memref<16384xf32, #tpu.memory_space<hbm>>
        %dma_wait3A_48 = arith.constant 0 : i32
        %dma_wait3A_49 = tpu.memref_slice %arg2[%add3A, %add3A_21, %dma_wait3A_48] : memref<4x64x16384xf32, #tpu.memory_space<hbm>> -> memref<1x1x16384xf32, #tpu.memory_space<hbm>>
        %dma_wait3A_50 = tpu.memref_squeeze %dma_wait3A_49 : memref<1x1x16384xf32, #tpu.memory_space<hbm>> -> memref<16384xf32, #tpu.memory_space<hbm>>
        tpu.wait_dma2 semaphore(%run_scoped3A : memref<!tpu.dma_semaphore, #tpu.memory_space<semaphore_mem>>) src(%dma_wait3A_50 : memref<16384xf32, #tpu.memory_space<hbm>>) dst(%arg6 : memref<16384xf32, #tpu.memory_space<vmem>>)
        tpu.yield
      }) : () -> ()
      %scan3A_24 = arith.constant 0 : i32
      %scan3A_25 = arith.constant 0 : i32
      %scan3A_26 = arith.constant 128 : i32
      %scan3A_27 = arith.addi %scan3A_25, %scan3A_26 : i32
      %scan3A_28 = arith.constant 1 : i32
      %scan3A_29 = scf.for %scan3A_41 = %scan3A_25 to %scan3A_27 step %scan3A_28 iter_args(%scan3A_42 = %scan3A_24) -> (i32)  : i32 {
        %mul3A_43 = arith.constant 128 : i32
        %mul3A_44 = arith.muli %scan3A_41, %mul3A_43 : i32
        %add3A_45 = arith.constant 0 : i32
        %add3A_46 = arith.addi %mul3A_44, %add3A_45 : i32
        %multiple_of3A = tpu.assume_multiple %add3A_46, 16 : i32
        %get3A = arith.index_cast %multiple_of3A : i32 to index
        %get3A_47 = tpu.vector_load %arg5[%get3A] {strides = array<i32>} : memref<16384xi32, #tpu.memory_space<vmem>>, vector<16xi32>,
        %get3A_48 = arith.index_cast %multiple_of3A : i32 to index
        %get3A_49 = tpu.vector_load %arg6[%get3A_48] {strides = array<i32>} : memref<16384xf32, #tpu.memory_space<vmem>>, vector<16xf32>,
        tpu.vector_store_idx %arg7[%get3A_47], %get3A_49 {add = true} : memref<65536xf32, #tpu.memory_space<vmem>>[vector<16xi32>], vector<16xf32>,
        %mul3A_50 = arith.constant 128 : i32
        %mul3A_51 = arith.muli %scan3A_41, %mul3A_50 : i32
        %add3A_52 = arith.constant 16 : i32
        %add3A_53 = arith.addi %mul3A_51, %add3A_52 : i32
        %multiple_of3A_54 = tpu.assume_multiple %add3A_53, 16 : i32
        %get3A_55 = arith.index_cast %multiple_of3A_54 : i32 to index
        %get3A_56 = tpu.vector_load %arg5[%get3A_55] {strides = array<i32>} : memref<16384xi32, #tpu.memory_space<vmem>>, vector<16xi32>,
        %get3A_57 = arith.index_cast %multiple_of3A_54 : i32 to index
        %get3A_58 = tpu.vector_load %arg6[%get3A_57] {strides = array<i32>} : memref<16384xf32, #tpu.memory_space<vmem>>, vector<16xf32>,
        tpu.vector_store_idx %arg7[%get3A_56], %get3A_58 {add = true} : memref<65536xf32, #tpu.memory_space<vmem>>[vector<16xi32>], vector<16xf32>,
        %mul3A_59 = arith.constant 128 : i32
        %mul3A_60 = arith.muli %scan3A_41, %mul3A_59 : i32
        %add3A_61 = arith.constant 32 : i32
        %add3A_62 = arith.addi %mul3A_60, %add3A_61 : i32
        %multiple_of3A_63 = tpu.assume_multiple %add3A_62, 16 : i32
        %get3A_64 = arith.index_cast %multiple_of3A_63 : i32 to index
        %get3A_65 = tpu.vector_load %arg5[%get3A_64] {strides = array<i32>} : memref<16384xi32, #tpu.memory_space<vmem>>, vector<16xi32>,
        %get3A_66 = arith.index_cast %multiple_of3A_63 : i32 to index
        %get3A_67 = tpu.vector_load %arg6[%get3A_66] {strides = array<i32>} : memref<16384xf32, #tpu.memory_space<vmem>>, vector<16xf32>,
        tpu.vector_store_idx %arg7[%get3A_65], %get3A_67 {add = true} : memref<65536xf32, #tpu.memory_space<vmem>>[vector<16xi32>], vector<16xf32>,
        %mul3A_68 = arith.constant 128 : i32
        %mul3A_69 = arith.muli %scan3A_41, %mul3A_68 : i32
        %add3A_70 = arith.constant 48 : i32
        %add3A_71 = arith.addi %mul3A_69, %add3A_70 : i32
        %multiple_of3A_72 = tpu.assume_multiple %add3A_71, 16 : i32
        %get3A_73 = arith.index_cast %multiple_of3A_72 : i32 to index
        %get3A_74 = tpu.vector_load %arg5[%get3A_73] {strides = array<i32>} : memref<16384xi32, #tpu.memory_space<vmem>>, vector<16xi32>,
        %get3A_75 = arith.index_cast %multiple_of3A_72 : i32 to index
        %get3A_76 = tpu.vector_load %arg6[%get3A_75] {strides = array<i32>} : memref<16384xf32, #tpu.memory_space<vmem>>, vector<16xf32>,
        tpu.vector_store_idx %arg7[%get3A_74], %get3A_76 {add = true} : memref<65536xf32, #tpu.memory_space<vmem>>[vector<16xi32>], vector<16xf32>,
        %mul3A_77 = arith.constant 128 : i32
        %mul3A_78 = arith.muli %scan3A_41, %mul3A_77 : i32
        %add3A_79 = arith.constant 64 : i32
        %add3A_80 = arith.addi %mul3A_78, %add3A_79 : i32
        %multiple_of3A_81 = tpu.assume_multiple %add3A_80, 16 : i32
        %get3A_82 = arith.index_cast %multiple_of3A_81 : i32 to index
        %get3A_83 = tpu.vector_load %arg5[%get3A_82] {strides = array<i32>} : memref<16384xi32, #tpu.memory_space<vmem>>, vector<16xi32>,
        %get3A_84 = arith.index_cast %multiple_of3A_81 : i32 to index
        %get3A_85 = tpu.vector_load %arg6[%get3A_84] {strides = array<i32>} : memref<16384xf32, #tpu.memory_space<vmem>>, vector<16xf32>,
        tpu.vector_store_idx %arg7[%get3A_83], %get3A_85 {add = true} : memref<65536xf32, #tpu.memory_space<vmem>>[vector<16xi32>], vector<16xf32>,
        %mul3A_86 = arith.constant 128 : i32
        %mul3A_87 = arith.muli %scan3A_41, %mul3A_86 : i32
        %add3A_88 = arith.constant 80 : i32
        %add3A_89 = arith.addi %mul3A_87, %add3A_88 : i32
        %multiple_of3A_90 = tpu.assume_multiple %add3A_89, 16 : i32
        %get3A_91 = arith.index_cast %multiple_of3A_90 : i32 to index
        %get3A_92 = tpu.vector_load %arg5[%get3A_91] {strides = array<i32>} : memref<16384xi32, #tpu.memory_space<vmem>>, vector<16xi32>,
        %get3A_93 = arith.index_cast %multiple_of3A_90 : i32 to index
        %get3A_94 = tpu.vector_load %arg6[%get3A_93] {strides = array<i32>} : memref<16384xf32, #tpu.memory_space<vmem>>, vector<16xf32>,
        tpu.vector_store_idx %arg7[%get3A_92], %get3A_94 {add = true} : memref<65536xf32, #tpu.memory_space<vmem>>[vector<16xi32>], vector<16xf32>,
        %mul3A_95 = arith.constant 128 : i32
        %mul3A_96 = arith.muli %scan3A_41, %mul3A_95 : i32
        %add3A_97 = arith.constant 96 : i32
        %add3A_98 = arith.addi %mul3A_96, %add3A_97 : i32
        %multiple_of3A_99 = tpu.assume_multiple %add3A_98, 16 : i32
        %get3A_100 = arith.index_cast %multiple_of3A_99 : i32 to index
        %get3A_101 = tpu.vector_load %arg5[%get3A_100] {strides = array<i32>} : memref<16384xi32, #tpu.memory_space<vmem>>, vector<16xi32>,
        %get3A_102 = arith.index_cast %multiple_of3A_99 : i32 to index
        %get3A_103 = tpu.vector_load %arg6[%get3A_102] {strides = array<i32>} : memref<16384xf32, #tpu.memory_space<vmem>>, vector<16xf32>,
        tpu.vector_store_idx %arg7[%get3A_101], %get3A_103 {add = true} : memref<65536xf32, #tpu.memory_space<vmem>>[vector<16xi32>], vector<16xf32>,
        %mul3A_104 = arith.constant 128 : i32
        %mul3A_105 = arith.muli %scan3A_41, %mul3A_104 : i32
        %add3A_106 = arith.constant 112 : i32
        %add3A_107 = arith.addi %mul3A_105, %add3A_106 : i32
        %multiple_of3A_108 = tpu.assume_multiple %add3A_107, 16 : i32
        %get3A_109 = arith.index_cast %multiple_of3A_108 : i32 to index
        %get3A_110 = tpu.vector_load %arg5[%get3A_109] {strides = array<i32>} : memref<16384xi32, #tpu.memory_space<vmem>>, vector<16xi32>,
        %get3A_111 = arith.index_cast %multiple_of3A_108 : i32 to index
        %get3A_112 = tpu.vector_load %arg6[%get3A_111] {strides = array<i32>} : memref<16384xf32, #tpu.memory_space<vmem>>, vector<16xf32>,
        tpu.vector_store_idx %arg7[%get3A_110], %get3A_112 {add = true} : memref<65536xf32, #tpu.memory_space<vmem>>[vector<16xi32>], vector<16xf32>,
        %scan3A_113 = arith.constant 0 : i32
        scf.yield %scan3A_113 : i32
      }
      %scan3A_30 = arith.constant 128 : i32
      "tpu.region"() ({
        %run_scoped3A = tpu.sem_alloc : memref<!tpu.dma_semaphore, #tpu.memory_space<semaphore_mem>>
        %dma_start3A = arith.constant 0 : i32
        %dma_start3A_41 = tpu.memref_slice %arg4[%add3A, %add3A_21, %dma_start3A] : memref<4x64x65536xf32, #tpu.memory_space<hbm>> -> memref<1x1x65536xf32, #tpu.memory_space<hbm>>
        %dma_start3A_42 = tpu.memref_squeeze %dma_start3A_41 : memref<1x1x65536xf32, #tpu.memory_space<hbm>> -> memref<65536xf32, #tpu.memory_space<hbm>>
        %dma_start3A_43 = arith.constant 0 : i32
        %dma_start3A_44 = tpu.memref_slice %arg4[%add3A, %add3A_21, %dma_start3A_43] : memref<4x64x65536xf32, #tpu.memory_space<hbm>> -> memref<1x1x65536xf32, #tpu.memory_space<hbm>>
        %dma_start3A_45 = tpu.memref_squeeze %dma_start3A_44 : memref<1x1x65536xf32, #tpu.memory_space<hbm>> -> memref<65536xf32, #tpu.memory_space<hbm>>
        tpu.enqueue_dma source(%arg7 : memref<65536xf32, #tpu.memory_space<vmem>>) target(%dma_start3A_45 : memref<65536xf32, #tpu.memory_space<hbm>>) target_semaphore(%run_scoped3A : memref<!tpu.dma_semaphore, #tpu.memory_space<semaphore_mem>>)
        %dma_wait3A = arith.constant 0 : i32
        %dma_wait3A_46 = tpu.memref_slice %arg4[%add3A, %add3A_21, %dma_wait3A] : memref<4x64x65536xf32, #tpu.memory_space<hbm>> -> memref<1x1x65536xf32, #tpu.memory_space<hbm>>
        %dma_wait3A_47 = tpu.memref_squeeze %dma_wait3A_46 : memref<1x1x65536xf32, #tpu.memory_space<hbm>> -> memref<65536xf32, #tpu.memory_space<hbm>>
        %dma_wait3A_48 = arith.constant 0 : i32
        %dma_wait3A_49 = tpu.memref_slice %arg4[%add3A, %add3A_21, %dma_wait3A_48] : memref<4x64x65536xf32, #tpu.memory_space<hbm>> -> memref<1x1x65536xf32, #tpu.memory_space<hbm>>
        %dma_wait3A_50 = tpu.memref_squeeze %dma_wait3A_49 : memref<1x1x65536xf32, #tpu.memory_space<hbm>> -> memref<65536xf32, #tpu.memory_space<hbm>>
        tpu.wait_dma2 semaphore(%run_scoped3A : memref<!tpu.dma_semaphore, #tpu.memory_space<semaphore_mem>>) src(%arg7 : memref<65536xf32, #tpu.memory_space<vmem>>) dst(%dma_wait3A_50 : memref<65536xf32, #tpu.memory_space<hbm>>)
        tpu.yield
      }) : () -> ()
      %broadcast_in_dim3A_31 = arith.constant 0.000000e+00 : f32
      %broadcast_in_dim3A_32 = vector.broadcast %broadcast_in_dim3A_31 : f32 to vector<16xf32>
      %scan3A_33 = arith.constant 0 : i32
      %scan3A_34 = arith.constant 0 : i32
      %scan3A_35 = arith.constant 128 : i32
      %scan3A_36 = arith.addi %scan3A_34, %scan3A_35 : i32
      %scan3A_37 = arith.constant 1 : i32
      %scan3A_38 = scf.for %scan3A_41 = %scan3A_34 to %scan3A_36 step %scan3A_37 iter_args(%scan3A_42 = %scan3A_33) -> (i32)  : i32 {
        %mul3A_43 = arith.constant 128 : i32
        %mul3A_44 = arith.muli %scan3A_41, %mul3A_43 : i32
        %add3A_45 = arith.constant 0 : i32
        %add3A_46 = arith.addi %mul3A_44, %add3A_45 : i32
        %multiple_of3A = tpu.assume_multiple %add3A_46, 16 : i32
        %get3A = arith.index_cast %multiple_of3A : i32 to index
        %get3A_47 = tpu.vector_load %arg5[%get3A] {strides = array<i32>} : memref<16384xi32, #tpu.memory_space<vmem>>, vector<16xi32>,
        tpu.vector_store_idx %arg7[%get3A_47], %broadcast_in_dim3A_32 : memref<65536xf32, #tpu.memory_space<vmem>>[vector<16xi32>], vector<16xf32>,
        %mul3A_48 = arith.constant 128 : i32
        %mul3A_49 = arith.muli %scan3A_41, %mul3A_48 : i32
        %add3A_50 = arith.constant 16 : i32
        %add3A_51 = arith.addi %mul3A_49, %add3A_50 : i32
        %multiple_of3A_52 = tpu.assume_multiple %add3A_51, 16 : i32
        %get3A_53 = arith.index_cast %multiple_of3A_52 : i32 to index
        %get3A_54 = tpu.vector_load %arg5[%get3A_53] {strides = array<i32>} : memref<16384xi32, #tpu.memory_space<vmem>>, vector<16xi32>,
        tpu.vector_store_idx %arg7[%get3A_54], %broadcast_in_dim3A_32 : memref<65536xf32, #tpu.memory_space<vmem>>[vector<16xi32>], vector<16xf32>,
        %mul3A_55 = arith.constant 128 : i32
        %mul3A_56 = arith.muli %scan3A_41, %mul3A_55 : i32
        %add3A_57 = arith.constant 32 : i32
        %add3A_58 = arith.addi %mul3A_56, %add3A_57 : i32
        %multiple_of3A_59 = tpu.assume_multiple %add3A_58, 16 : i32
        %get3A_60 = arith.index_cast %multiple_of3A_59 : i32 to index
        %get3A_61 = tpu.vector_load %arg5[%get3A_60] {strides = array<i32>} : memref<16384xi32, #tpu.memory_space<vmem>>, vector<16xi32>,
        tpu.vector_store_idx %arg7[%get3A_61], %broadcast_in_dim3A_32 : memref<65536xf32, #tpu.memory_space<vmem>>[vector<16xi32>], vector<16xf32>,
        %mul3A_62 = arith.constant 128 : i32
        %mul3A_63 = arith.muli %scan3A_41, %mul3A_62 : i32
        %add3A_64 = arith.constant 48 : i32
        %add3A_65 = arith.addi %mul3A_63, %add3A_64 : i32
        %multiple_of3A_66 = tpu.assume_multiple %add3A_65, 16 : i32
        %get3A_67 = arith.index_cast %multiple_of3A_66 : i32 to index
        %get3A_68 = tpu.vector_load %arg5[%get3A_67] {strides = array<i32>} : memref<16384xi32, #tpu.memory_space<vmem>>, vector<16xi32>,
        tpu.vector_store_idx %arg7[%get3A_68], %broadcast_in_dim3A_32 : memref<65536xf32, #tpu.memory_space<vmem>>[vector<16xi32>], vector<16xf32>,
        %mul3A_69 = arith.constant 128 : i32
        %mul3A_70 = arith.muli %scan3A_41, %mul3A_69 : i32
        %add3A_71 = arith.constant 64 : i32
        %add3A_72 = arith.addi %mul3A_70, %add3A_71 : i32
        %multiple_of3A_73 = tpu.assume_multiple %add3A_72, 16 : i32
        %get3A_74 = arith.index_cast %multiple_of3A_73 : i32 to index
        %get3A_75 = tpu.vector_load %arg5[%get3A_74] {strides = array<i32>} : memref<16384xi32, #tpu.memory_space<vmem>>, vector<16xi32>,
        tpu.vector_store_idx %arg7[%get3A_75], %broadcast_in_dim3A_32 : memref<65536xf32, #tpu.memory_space<vmem>>[vector<16xi32>], vector<16xf32>,
        %mul3A_76 = arith.constant 128 : i32
        %mul3A_77 = arith.muli %scan3A_41, %mul3A_76 : i32
        %add3A_78 = arith.constant 80 : i32
        %add3A_79 = arith.addi %mul3A_77, %add3A_78 : i32
        %multiple_of3A_80 = tpu.assume_multiple %add3A_79, 16 : i32
        %get3A_81 = arith.index_cast %multiple_of3A_80 : i32 to index
        %get3A_82 = tpu.vector_load %arg5[%get3A_81] {strides = array<i32>} : memref<16384xi32, #tpu.memory_space<vmem>>, vector<16xi32>,
        tpu.vector_store_idx %arg7[%get3A_82], %broadcast_in_dim3A_32 : memref<65536xf32, #tpu.memory_space<vmem>>[vector<16xi32>], vector<16xf32>,
        %mul3A_83 = arith.constant 128 : i32
        %mul3A_84 = arith.muli %scan3A_41, %mul3A_83 : i32
        %add3A_85 = arith.constant 96 : i32
        %add3A_86 = arith.addi %mul3A_84, %add3A_85 : i32
        %multiple_of3A_87 = tpu.assume_multiple %add3A_86, 16 : i32
        %get3A_88 = arith.index_cast %multiple_of3A_87 : i32 to index
        %get3A_89 = tpu.vector_load %arg5[%get3A_88] {strides = array<i32>} : memref<16384xi32, #tpu.memory_space<vmem>>, vector<16xi32>,
        tpu.vector_store_idx %arg7[%get3A_89], %broadcast_in_dim3A_32 : memref<65536xf32, #tpu.memory_space<vmem>>[vector<16xi32>], vector<16xf32>,
        %mul3A_90 = arith.constant 128 : i32
        %mul3A_91 = arith.muli %scan3A_41, %mul3A_90 : i32
        %add3A_92 = arith.constant 112 : i32
        %add3A_93 = arith.addi %mul3A_91, %add3A_92 : i32
        %multiple_of3A_94 = tpu.assume_multiple %add3A_93, 16 : i32
        %get3A_95 = arith.index_cast %multiple_of3A_94 : i32 to index
        %get3A_96 = tpu.vector_load %arg5[%get3A_95] {strides = array<i32>} : memref<16384xi32, #tpu.memory_space<vmem>>, vector<16xi32>,
        tpu.vector_store_idx %arg7[%get3A_96], %broadcast_in_dim3A_32 : memref<65536xf32, #tpu.memory_space<vmem>>[vector<16xi32>], vector<16xf32>,
        %scan3A_97 = arith.constant 0 : i32
        scf.yield %scan3A_97 : i32
      }
      %scan3A_39 = arith.constant 128 : i32
      %scan3A_40 = arith.constant 0 : i32
      scf.yield %scan3A_40 : i32
    }
    %scan3A_13 = arith.constant 8 : i32
    return
  }
}

module attributes {stable_mosaic.version = 14 : i64} {
  func.func @_a_lin_body(%arg0: i32, %arg1: memref<1x128x128xf32, #tpu.memory_space<vmem>>, %arg2: memref<1x128x128xf32, #tpu.memory_space<vmem>>, %arg3: memref<1x128x128xi32, #tpu.memory_space<vmem>>) attributes {dimension_semantics = [#tpu.dimension_semantics<arbitrary>], iteration_bounds = array<i64: 4>, scalar_prefetch = 0 : i64, scratch_operands = 0 : i64, tpu.core_type = #tpu.core_type<tc>, window_params = [{transform_indices = @transform_0, window_bounds = array<i64: 1, 128, 128>}, {transform_indices = @transform_1, window_bounds = array<i64: 1, 128, 128>}, {transform_indices = @transform_2, window_bounds = array<i64: 1, 128, 128>}]} {
    %get3A = arith.constant 0 : index
    %get3A_0 = arith.constant 0 : index
    %get3A_1 = arith.constant 0 : index
    %get3A_2 = vector.load %arg1[%get3A, %get3A_0, %get3A_1] : memref<1x128x128xf32, #tpu.memory_space<vmem>>, vector<1x128x128xf32>
    %get3A_3 = vector.shape_cast %get3A_2 : vector<1x128x128xf32> to vector<128x128xf32>
    %get3A_4 = arith.constant 0 : index
    %get3A_5 = arith.constant 0 : index
    %get3A_6 = arith.constant 0 : index
    %get3A_7 = vector.load %arg2[%get3A_4, %get3A_5, %get3A_6] : memref<1x128x128xf32, #tpu.memory_space<vmem>>, vector<1x128x128xf32>
    %get3A_8 = vector.shape_cast %get3A_7 : vector<1x128x128xf32> to vector<128x128xf32>
    %sub3A = arith.constant -5.120000e+01 : f32
    %sub3A_9 = vector.broadcast %sub3A : f32 to vector<128x128xf32>
    %sub3A_10 = arith.subf %get3A_3, %sub3A_9 : vector<128x128xf32>
    %div3A = arith.constant 4.000000e-01 : f32
    %div3A_11 = vector.broadcast %div3A : f32 to vector<128x128xf32>
    %div3A_12 = arith.divf %sub3A_10, %div3A_11 : vector<128x128xf32>
    %floor3A = math.floor %div3A_12 : vector<128x128xf32>
    %jit3A = arith.constant 0.000000e+00 : f32
    %jit3A_13 = arith.constant 2.550000e+02 : f32
    %max3A = vector.broadcast %jit3A : f32 to vector<128x128xf32>
    %max3A_14 = arith.maximumf %max3A, %floor3A : vector<128x128xf32>
    %min3A = vector.broadcast %jit3A_13 : f32 to vector<128x128xf32>
    %min3A_15 = arith.minimumf %min3A, %max3A_14 : vector<128x128xf32>
    %sub3A_16 = arith.constant -5.120000e+01 : f32
    %sub3A_17 = vector.broadcast %sub3A_16 : f32 to vector<128x128xf32>
    %sub3A_18 = arith.subf %get3A_8, %sub3A_17 : vector<128x128xf32>
    %div3A_19 = arith.constant 4.000000e-01 : f32
    %div3A_20 = vector.broadcast %div3A_19 : f32 to vector<128x128xf32>
    %div3A_21 = arith.divf %sub3A_18, %div3A_20 : vector<128x128xf32>
    %floor3A_22 = math.floor %div3A_21 : vector<128x128xf32>
    %jit3A_23 = arith.constant 0.000000e+00 : f32
    %jit3A_24 = arith.constant 2.550000e+02 : f32
    %max3A_25 = vector.broadcast %jit3A_23 : f32 to vector<128x128xf32>
    %max3A_26 = arith.maximumf %max3A_25, %floor3A_22 : vector<128x128xf32>
    %min3A_27 = vector.broadcast %jit3A_24 : f32 to vector<128x128xf32>
    %min3A_28 = arith.minimumf %min3A_27, %max3A_26 : vector<128x128xf32>
    %mul3A = arith.constant 2.560000e+02 : f32
    %mul3A_29 = vector.broadcast %mul3A : f32 to vector<128x128xf32>
    %mul3A_30 = arith.mulf %min3A_28, %mul3A_29 : vector<128x128xf32>
    %add3A = arith.addf %mul3A_30, %min3A_15 : vector<128x128xf32>
    %convert_element_type3A = arith.fptosi %add3A : vector<128x128xf32> to vector<128x128xi32>
    %swap3A = arith.constant 0 : index
    %swap3A_31 = arith.constant 0 : index
    %swap3A_32 = arith.constant 0 : index
    %swap3A_33 = vector.load %arg3[%swap3A, %swap3A_31, %swap3A_32] : memref<1x128x128xi32, #tpu.memory_space<vmem>>, vector<1x128x128xi32>
    %swap3A_34 = vector.shape_cast %swap3A_33 : vector<1x128x128xi32> to vector<128x128xi32>
    %swap3A_35 = vector.shape_cast %convert_element_type3A : vector<128x128xi32> to vector<1x128x128xi32>
    tpu.vector_store %arg3[%swap3A, %swap3A_31, %swap3A_32], %swap3A_35 {strides = array<i32>} : memref<1x128x128xi32, #tpu.memory_space<vmem>>, vector<1x128x128xi32>,
    return
  }
  func.func @transform_0(%arg0: i32) -> (i32, i32, i32) {
    %c0_i32 = arith.constant 0 : i32
    %c0_i32_0 = arith.constant 0 : i32
    %c0_i32_1 = arith.constant 0 : i32
    return %arg0, %c0_i32, %c0_i32_0 : i32, i32, i32
  }
  func.func @transform_1(%arg0: i32) -> (i32, i32, i32) {
    %c0_i32 = arith.constant 0 : i32
    %c0_i32_0 = arith.constant 0 : i32
    %c0_i32_1 = arith.constant 0 : i32
    return %arg0, %c0_i32, %c0_i32_0 : i32, i32, i32
  }
  func.func @transform_2(%arg0: i32) -> (i32, i32, i32) {
    %c0_i32 = arith.constant 0 : i32
    %c0_i32_0 = arith.constant 0 : i32
    %c0_i32_1 = arith.constant 0 : i32
    return %arg0, %c0_i32, %c0_i32_0 : i32, i32, i32
  }
}

module attributes {stable_mosaic.version = 14 : i64} {
  func.func @_c1_body(%arg0: i32, %arg1: i32, %arg2: memref<1x1x2048xf32, #tpu.memory_space<vmem>>, %arg3: memref<1x1x2048xf32, #tpu.memory_space<vmem>>, %arg4: memref<1x1x2048xf32, #tpu.memory_space<vmem>>, %arg5: memref<1x1x2048xf32, #tpu.memory_space<vmem>>, %arg6: memref<1x1x2048xf32, #tpu.memory_space<vmem>>, %arg7: memref<1x1x2048xf32, #tpu.memory_space<vmem>>, %arg8: memref<1x1x2048xf32, #tpu.memory_space<vmem>>, %arg9: memref<1x1x2048xf32, #tpu.memory_space<vmem>>, %arg10: memref<1x1x2048xf32, #tpu.memory_space<vmem>>, %arg11: memref<1x1x2048xf32, #tpu.memory_space<vmem>>, %arg12: memref<64x16xf32, #tpu.memory_space<vmem>>, %arg13: memref<64x1xf32, #tpu.memory_space<vmem>>, %arg14: memref<1x64x2xf32, #tpu.memory_space<vmem>>) attributes {dimension_semantics = [#tpu.dimension_semantics<arbitrary>, #tpu.dimension_semantics<arbitrary>], iteration_bounds = array<i64: 4, 8>, scalar_prefetch = 0 : i64, scratch_operands = 0 : i64, tpu.core_type = #tpu.core_type<tc>, window_params = [{transform_indices = @transform_0, window_bounds = array<i64: 1, 1, 2048>}, {transform_indices = @transform_1, window_bounds = array<i64: 1, 1, 2048>}, {transform_indices = @transform_2, window_bounds = array<i64: 1, 1, 2048>}, {transform_indices = @transform_3, window_bounds = array<i64: 1, 1, 2048>}, {transform_indices = @transform_4, window_bounds = array<i64: 1, 1, 2048>}, {transform_indices = @transform_5, window_bounds = array<i64: 1, 1, 2048>}, {transform_indices = @transform_6, window_bounds = array<i64: 1, 1, 2048>}, {transform_indices = @transform_7, window_bounds = array<i64: 1, 1, 2048>}, {transform_indices = @transform_8, window_bounds = array<i64: 1, 1, 2048>}, {transform_indices = @transform_9, window_bounds = array<i64: 1, 1, 2048>}, {pipeline_mode = #tpu.pipeline_mode<synchronous>, transform_indices = @transform_10, window_bounds = array<i64: 64, 16>}, {pipeline_mode = #tpu.pipeline_mode<synchronous>, transform_indices = @transform_11, window_bounds = array<i64: 64, 1>}, {transform_indices = @transform_12, window_bounds = array<i64: 1, 64, 2>}]} {
    %get3A = arith.constant 0 : index
    %get3A_0 = arith.constant 0 : index
    %get3A_1 = arith.constant 0 : index
    %get3A_2 = vector.load %arg2[%get3A, %get3A_0, %get3A_1] : memref<1x1x2048xf32, #tpu.memory_space<vmem>>, vector<1x1x2048xf32>
    %get3A_3 = vector.shape_cast %get3A_2 : vector<1x1x2048xf32> to vector<1x2048xf32>
    %get3A_4 = arith.constant 0 : index
    %get3A_5 = arith.constant 0 : index
    %get3A_6 = arith.constant 0 : index
    %get3A_7 = vector.load %arg3[%get3A_4, %get3A_5, %get3A_6] : memref<1x1x2048xf32, #tpu.memory_space<vmem>>, vector<1x1x2048xf32>
    %get3A_8 = vector.shape_cast %get3A_7 : vector<1x1x2048xf32> to vector<1x2048xf32>
    %get3A_9 = arith.constant 0 : index
    %get3A_10 = arith.constant 0 : index
    %get3A_11 = arith.constant 0 : index
    %get3A_12 = vector.load %arg4[%get3A_9, %get3A_10, %get3A_11] : memref<1x1x2048xf32, #tpu.memory_space<vmem>>, vector<1x1x2048xf32>
    %get3A_13 = vector.shape_cast %get3A_12 : vector<1x1x2048xf32> to vector<1x2048xf32>
    %get3A_14 = arith.constant 0 : index
    %get3A_15 = arith.constant 0 : index
    %get3A_16 = arith.constant 0 : index
    %get3A_17 = vector.load %arg5[%get3A_14, %get3A_15, %get3A_16] : memref<1x1x2048xf32, #tpu.memory_space<vmem>>, vector<1x1x2048xf32>
    %get3A_18 = vector.shape_cast %get3A_17 : vector<1x1x2048xf32> to vector<1x2048xf32>
    %get3A_19 = arith.constant 0 : index
    %get3A_20 = arith.constant 0 : index
    %get3A_21 = arith.constant 0 : index
    %get3A_22 = vector.load %arg6[%get3A_19, %get3A_20, %get3A_21] : memref<1x1x2048xf32, #tpu.memory_space<vmem>>, vector<1x1x2048xf32>
    %get3A_23 = vector.shape_cast %get3A_22 : vector<1x1x2048xf32> to vector<1x2048xf32>
    %get3A_24 = arith.constant 0 : index
    %get3A_25 = arith.constant 0 : index
    %get3A_26 = arith.constant 0 : index
    %get3A_27 = vector.load %arg7[%get3A_24, %get3A_25, %get3A_26] : memref<1x1x2048xf32, #tpu.memory_space<vmem>>, vector<1x1x2048xf32>
    %get3A_28 = vector.shape_cast %get3A_27 : vector<1x1x2048xf32> to vector<1x2048xf32>
    %get3A_29 = arith.constant 0 : index
    %get3A_30 = arith.constant 0 : index
    %get3A_31 = arith.constant 0 : index
    %get3A_32 = vector.load %arg8[%get3A_29, %get3A_30, %get3A_31] : memref<1x1x2048xf32, #tpu.memory_space<vmem>>, vector<1x1x2048xf32>
    %get3A_33 = vector.shape_cast %get3A_32 : vector<1x1x2048xf32> to vector<1x2048xf32>
    %get3A_34 = arith.constant 0 : index
    %get3A_35 = arith.constant 0 : index
    %get3A_36 = arith.constant 0 : index
    %get3A_37 = vector.load %arg9[%get3A_34, %get3A_35, %get3A_36] : memref<1x1x2048xf32, #tpu.memory_space<vmem>>, vector<1x1x2048xf32>
    %get3A_38 = vector.shape_cast %get3A_37 : vector<1x1x2048xf32> to vector<1x2048xf32>
    %get3A_39 = arith.constant 0 : index
    %get3A_40 = arith.constant 0 : index
    %get3A_41 = arith.constant 0 : index
    %get3A_42 = vector.load %arg10[%get3A_39, %get3A_40, %get3A_41] : memref<1x1x2048xf32, #tpu.memory_space<vmem>>, vector<1x1x2048xf32>
    %get3A_43 = vector.shape_cast %get3A_42 : vector<1x1x2048xf32> to vector<1x2048xf32>
    %get3A_44 = arith.constant 0 : index
    %get3A_45 = arith.constant 0 : index
    %get3A_46 = arith.constant 0 : index
    %get3A_47 = vector.load %arg11[%get3A_44, %get3A_45, %get3A_46] : memref<1x1x2048xf32, #tpu.memory_space<vmem>>, vector<1x1x2048xf32>
    %get3A_48 = vector.shape_cast %get3A_47 : vector<1x1x2048xf32> to vector<1x2048xf32>
    %div3A = arith.constant 1.000000e+00 : f32
    %div3A_49 = vector.broadcast %div3A : f32 to vector<1x2048xf32>
    %div3A_50 = arith.divf %div3A_49, %get3A_48 : vector<1x2048xf32>
    %mul3A = arith.mulf %get3A_33, %div3A_50 : vector<1x2048xf32>
    %mul3A_51 = arith.mulf %get3A_38, %div3A_50 : vector<1x2048xf32>
    %mul3A_52 = arith.mulf %get3A_43, %div3A_50 : vector<1x2048xf32>
    %sub3A = arith.constant -5.120000e+01 : f32
    %sub3A_53 = vector.broadcast %sub3A : f32 to vector<1x2048xf32>
    %sub3A_54 = arith.subf %get3A_3, %sub3A_53 : vector<1x2048xf32>
    %div3A_55 = arith.constant 4.000000e-01 : f32
    %div3A_56 = vector.broadcast %div3A_55 : f32 to vector<1x2048xf32>
    %div3A_57 = arith.divf %sub3A_54, %div3A_56 : vector<1x2048xf32>
    %floor3A = math.floor %div3A_57 : vector<1x2048xf32>
    %jit3A = arith.constant 0.000000e+00 : f32
    %jit3A_58 = arith.constant 2.550000e+02 : f32
    %max3A = vector.broadcast %jit3A : f32 to vector<1x2048xf32>
    %max3A_59 = arith.maximumf %max3A, %floor3A : vector<1x2048xf32>
    %min3A = vector.broadcast %jit3A_58 : f32 to vector<1x2048xf32>
    %min3A_60 = arith.minimumf %min3A, %max3A_59 : vector<1x2048xf32>
    %sub3A_61 = arith.constant -5.120000e+01 : f32
    %sub3A_62 = vector.broadcast %sub3A_61 : f32 to vector<1x2048xf32>
    %sub3A_63 = arith.subf %get3A_8, %sub3A_62 : vector<1x2048xf32>
    %div3A_64 = arith.constant 4.000000e-01 : f32
    %div3A_65 = vector.broadcast %div3A_64 : f32 to vector<1x2048xf32>
    %div3A_66 = arith.divf %sub3A_63, %div3A_65 : vector<1x2048xf32>
    %floor3A_67 = math.floor %div3A_66 : vector<1x2048xf32>
    %jit3A_68 = arith.constant 0.000000e+00 : f32
    %jit3A_69 = arith.constant 2.550000e+02 : f32
    %max3A_70 = vector.broadcast %jit3A_68 : f32 to vector<1x2048xf32>
    %max3A_71 = arith.maximumf %max3A_70, %floor3A_67 : vector<1x2048xf32>
    %min3A_72 = vector.broadcast %jit3A_69 : f32 to vector<1x2048xf32>
    %min3A_73 = arith.minimumf %min3A_72, %max3A_71 : vector<1x2048xf32>
    %add3A = arith.constant 5.000000e-01 : f32
    %add3A_74 = vector.broadcast %add3A : f32 to vector<1x2048xf32>
    %add3A_75 = arith.addf %min3A_60, %add3A_74 : vector<1x2048xf32>
    %mul3A_76 = arith.constant 4.000000e-01 : f32
    %mul3A_77 = vector.broadcast %mul3A_76 : f32 to vector<1x2048xf32>
    %mul3A_78 = arith.mulf %add3A_75, %mul3A_77 : vector<1x2048xf32>
    %add3A_79 = arith.constant -5.120000e+01 : f32
    %add3A_80 = vector.broadcast %add3A_79 : f32 to vector<1x2048xf32>
    %add3A_81 = arith.addf %mul3A_78, %add3A_80 : vector<1x2048xf32>
    %add3A_82 = arith.constant 5.000000e-01 : f32
    %add3A_83 = vector.broadcast %add3A_82 : f32 to vector<1x2048xf32>
    %add3A_84 = arith.addf %min3A_73, %add3A_83 : vector<1x2048xf32>
    %mul3A_85 = arith.constant 4.000000e-01 : f32
    %mul3A_86 = vector.broadcast %mul3A_85 : f32 to vector<1x2048xf32>
    %mul3A_87 = arith.mulf %add3A_84, %mul3A_86 : vector<1x2048xf32>
    %add3A_88 = arith.constant -5.120000e+01 : f32
    %add3A_89 = vector.broadcast %add3A_88 : f32 to vector<1x2048xf32>
    %add3A_90 = arith.addf %mul3A_87, %add3A_89 : vector<1x2048xf32>
    %sub3A_91 = arith.subf %get3A_3, %mul3A : vector<1x2048xf32>
    %sub3A_92 = arith.subf %get3A_8, %mul3A_51 : vector<1x2048xf32>
    %sub3A_93 = arith.subf %get3A_13, %mul3A_52 : vector<1x2048xf32>
    %sub3A_94 = arith.subf %get3A_3, %add3A_81 : vector<1x2048xf32>
    %sub3A_95 = arith.subf %get3A_8, %add3A_90 : vector<1x2048xf32>
    %broadcast_in_dim3A = arith.constant 0.000000e+00 : f32
    %broadcast_in_dim3A_96 = vector.broadcast %broadcast_in_dim3A : f32 to vector<5x2048xf32>
    %concatenate3A = tpu.concatenate %get3A_3, %get3A_8, %get3A_13, %get3A_18, %get3A_23, %get3A_28, %sub3A_91, %sub3A_92, %sub3A_93, %sub3A_94, %sub3A_95, %broadcast_in_dim3A_96 in 0 : vector<1x2048xf32>, vector<1x2048xf32>, vector<1x2048xf32>, vector<1x2048xf32>, vector<1x2048xf32>, vector<1x2048xf32>, vector<1x2048xf32>, vector<1x2048xf32>, vector<1x2048xf32>, vector<1x2048xf32>, vector<1x2048xf32>, vector<5x2048xf32> -> vector<16x2048xf32>
    %get3A_97 = arith.constant 0 : index
    %get3A_98 = arith.constant 0 : index
    %get3A_99 = vector.load %arg12[%get3A_97, %get3A_98] : memref<64x16xf32, #tpu.memory_space<vmem>>, vector<64x16xf32>
    %dot_general3A = arith.constant dense<0.000000e+00> : vector<64x2048xf32>
    %dot_general3A_100 = tpu.matmul %get3A_99, %concatenate3A, %dot_general3A {dimension_numbers = #tpu.dot_dimension_numbers<[1], [0], [0], [1], [0, 0, 1, 1], [], []>, transpose_lhs_hint = false} : vector<64x16xf32>, vector<16x2048xf32>, vector<64x2048xf32> -> vector<64x2048xf32>
    %get3A_101 = arith.constant 0 : index
    %get3A_102 = arith.constant 0 : index
    %get3A_103 = vector.load %arg13[%get3A_101, %get3A_102] : memref<64x1xf32, #tpu.memory_space<vmem>>, vector<64x1xf32>
    %add3A_104 = vector.broadcast %get3A_103 : vector<64x1xf32> to vector<64x2048xf32>
    %add3A_105 = arith.addf %dot_general3A_100, %add3A_104 : vector<64x2048xf32>
    %reduce_sum3A = arith.constant dense<0.000000e+00> : vector<64xf32>
    %reduce_sum3A_106 = vector.multi_reduction <add>, %add3A_105, %reduce_sum3A [1] : vector<64x2048xf32> to vector<64xf32>
    %broadcast_in_dim3A_107 = vector.shape_cast %reduce_sum3A_106 : vector<64xf32> to vector<64x1xf32>
    %mul3A_108 = arith.mulf %add3A_105, %add3A_105 : vector<64x2048xf32>
    %reduce_sum3A_109 = arith.constant dense<0.000000e+00> : vector<64xf32>
    %reduce_sum3A_110 = vector.multi_reduction <add>, %mul3A_108, %reduce_sum3A_109 [1] : vector<64x2048xf32> to vector<64xf32>
    %broadcast_in_dim3A_111 = vector.shape_cast %reduce_sum3A_110 : vector<64xf32> to vector<64x1xf32>
    %concatenate3A_112 = tpu.concatenate %broadcast_in_dim3A_107, %broadcast_in_dim3A_111 in 1 : vector<64x1xf32>, vector<64x1xf32> -> vector<64x2xf32>
    %broadcast_in_dim3A_113 = vector.shape_cast %concatenate3A_112 : vector<64x2xf32> to vector<1x64x2xf32>
    %eq3A = arith.constant 0 : i32
    %eq3A_114 = arith.cmpi eq, %arg1, %eq3A : i32
    %convert_element_type3A = arith.extui %eq3A_114 : i1 to i32
    %cond3A = arith.constant 0 : i32
    %cond3A_115 = arith.cmpi ne, %convert_element_type3A, %cond3A : i32
    scf.if %cond3A_115 {
      %swap3A = arith.constant 0 : index
      %swap3A_120 = arith.constant 0 : index
      %swap3A_121 = arith.constant 0 : index
      %swap3A_122 = vector.load %arg14[%swap3A, %swap3A_120, %swap3A_121] : memref<1x64x2xf32, #tpu.memory_space<vmem>>, vector<1x64x2xf32>
      tpu.vector_store %arg14[%swap3A, %swap3A_120, %swap3A_121], %broadcast_in_dim3A_113 {strides = array<i32>} : memref<1x64x2xf32, #tpu.memory_space<vmem>>, vector<1x64x2xf32>,
    } else {
    }
    %gt3A = arith.constant 0 : i32
    %gt3A_116 = arith.cmpi sgt, %arg1, %gt3A : i32
    %convert_element_type3A_117 = arith.extui %gt3A_116 : i1 to i32
    %cond3A_118 = arith.constant 0 : i32
    %cond3A_119 = arith.cmpi ne, %convert_element_type3A_117, %cond3A_118 : i32
    scf.if %cond3A_119 {
      %get3A_120 = arith.constant 0 : index
      %get3A_121 = arith.constant 0 : index
      %get3A_122 = arith.constant 0 : index
      %get3A_123 = vector.load %arg14[%get3A_120, %get3A_121, %get3A_122] : memref<1x64x2xf32, #tpu.memory_space<vmem>>, vector<1x64x2xf32>
      %add3A_124 = arith.addf %get3A_123, %broadcast_in_dim3A_113 : vector<1x64x2xf32>
      %swap3A = arith.constant 0 : index
      %swap3A_125 = arith.constant 0 : index
      %swap3A_126 = arith.constant 0 : index
      %swap3A_127 = vector.load %arg14[%swap3A, %swap3A_125, %swap3A_126] : memref<1x64x2xf32, #tpu.memory_space<vmem>>, vector<1x64x2xf32>
      tpu.vector_store %arg14[%swap3A, %swap3A_125, %swap3A_126], %add3A_124 {strides = array<i32>} : memref<1x64x2xf32, #tpu.memory_space<vmem>>, vector<1x64x2xf32>,
    } else {
    }
    return
  }
  func.func @transform_0(%arg0: i32, %arg1: i32) -> (i32, i32, i32) {
    %mul3A = arith.constant 8 : i32
    %mul3A_0 = arith.muli %arg0, %mul3A : i32
    %add3A = arith.addi %mul3A_0, %arg1 : i32
    %c0_i32 = arith.constant 0 : i32
    %c0_i32_1 = arith.constant 0 : i32
    %c0_i32_2 = arith.constant 0 : i32
    return %add3A, %c0_i32, %c0_i32_1 : i32, i32, i32
  }
  func.func @transform_1(%arg0: i32, %arg1: i32) -> (i32, i32, i32) {
    %mul3A = arith.constant 8 : i32
    %mul3A_0 = arith.muli %arg0, %mul3A : i32
    %add3A = arith.addi %mul3A_0, %arg1 : i32
    %c0_i32 = arith.constant 0 : i32
    %c0_i32_1 = arith.constant 0 : i32
    %c0_i32_2 = arith.constant 0 : i32
    return %add3A, %c0_i32, %c0_i32_1 : i32, i32, i32
  }
  func.func @transform_2(%arg0: i32, %arg1: i32) -> (i32, i32, i32) {
    %mul3A = arith.constant 8 : i32
    %mul3A_0 = arith.muli %arg0, %mul3A : i32
    %add3A = arith.addi %mul3A_0, %arg1 : i32
    %c0_i32 = arith.constant 0 : i32
    %c0_i32_1 = arith.constant 0 : i32
    %c0_i32_2 = arith.constant 0 : i32
    return %add3A, %c0_i32, %c0_i32_1 : i32, i32, i32
  }
  func.func @transform_3(%arg0: i32, %arg1: i32) -> (i32, i32, i32) {
    %mul3A = arith.constant 8 : i32
    %mul3A_0 = arith.muli %arg0, %mul3A : i32
    %add3A = arith.addi %mul3A_0, %arg1 : i32
    %c0_i32 = arith.constant 0 : i32
    %c0_i32_1 = arith.constant 0 : i32
    %c0_i32_2 = arith.constant 0 : i32
    return %add3A, %c0_i32, %c0_i32_1 : i32, i32, i32
  }
  func.func @transform_4(%arg0: i32, %arg1: i32) -> (i32, i32, i32) {
    %mul3A = arith.constant 8 : i32
    %mul3A_0 = arith.muli %arg0, %mul3A : i32
    %add3A = arith.addi %mul3A_0, %arg1 : i32
    %c0_i32 = arith.constant 0 : i32
    %c0_i32_1 = arith.constant 0 : i32
    %c0_i32_2 = arith.constant 0 : i32
    return %add3A, %c0_i32, %c0_i32_1 : i32, i32, i32
  }
  func.func @transform_5(%arg0: i32, %arg1: i32) -> (i32, i32, i32) {
    %mul3A = arith.constant 8 : i32
    %mul3A_0 = arith.muli %arg0, %mul3A : i32
    %add3A = arith.addi %mul3A_0, %arg1 : i32
    %c0_i32 = arith.constant 0 : i32
    %c0_i32_1 = arith.constant 0 : i32
    %c0_i32_2 = arith.constant 0 : i32
    return %add3A, %c0_i32, %c0_i32_1 : i32, i32, i32
  }
  func.func @transform_6(%arg0: i32, %arg1: i32) -> (i32, i32, i32) {
    %mul3A = arith.constant 8 : i32
    %mul3A_0 = arith.muli %arg0, %mul3A : i32
    %add3A = arith.addi %mul3A_0, %arg1 : i32
    %c0_i32 = arith.constant 0 : i32
    %c0_i32_1 = arith.constant 0 : i32
    %c0_i32_2 = arith.constant 0 : i32
    return %add3A, %c0_i32, %c0_i32_1 : i32, i32, i32
  }
  func.func @transform_7(%arg0: i32, %arg1: i32) -> (i32, i32, i32) {
    %mul3A = arith.constant 8 : i32
    %mul3A_0 = arith.muli %arg0, %mul3A : i32
    %add3A = arith.addi %mul3A_0, %arg1 : i32
    %c0_i32 = arith.constant 0 : i32
    %c0_i32_1 = arith.constant 0 : i32
    %c0_i32_2 = arith.constant 0 : i32
    return %add3A, %c0_i32, %c0_i32_1 : i32, i32, i32
  }
  func.func @transform_8(%arg0: i32, %arg1: i32) -> (i32, i32, i32) {
    %mul3A = arith.constant 8 : i32
    %mul3A_0 = arith.muli %arg0, %mul3A : i32
    %add3A = arith.addi %mul3A_0, %arg1 : i32
    %c0_i32 = arith.constant 0 : i32
    %c0_i32_1 = arith.constant 0 : i32
    %c0_i32_2 = arith.constant 0 : i32
    return %add3A, %c0_i32, %c0_i32_1 : i32, i32, i32
  }
  func.func @transform_9(%arg0: i32, %arg1: i32) -> (i32, i32, i32) {
    %mul3A = arith.constant 8 : i32
    %mul3A_0 = arith.muli %arg0, %mul3A : i32
    %add3A = arith.addi %mul3A_0, %arg1 : i32
    %c0_i32 = arith.constant 0 : i32
    %c0_i32_1 = arith.constant 0 : i32
    %c0_i32_2 = arith.constant 0 : i32
    return %add3A, %c0_i32, %c0_i32_1 : i32, i32, i32
  }
  func.func @transform_10(%arg0: i32, %arg1: i32) -> (i32, i32) {
    %c0_i32 = arith.constant 0 : i32
    %c0_i32_0 = arith.constant 0 : i32
    %c0_i32_1 = arith.constant 0 : i32
    return %c0_i32, %c0_i32_0 : i32, i32
  }
  func.func @transform_11(%arg0: i32, %arg1: i32) -> (i32, i32) {
    %c0_i32 = arith.constant 0 : i32
    %c0_i32_0 = arith.constant 0 : i32
    %c0_i32_1 = arith.constant 0 : i32
    return %c0_i32, %c0_i32_0 : i32, i32
  }
  func.func @transform_12(%arg0: i32, %arg1: i32) -> (i32, i32, i32) {
    %c0_i32 = arith.constant 0 : i32
    %c0_i32_0 = arith.constant 0 : i32
    %c0_i32_1 = arith.constant 0 : i32
    return %arg0, %c0_i32, %c0_i32_0 : i32, i32, i32
  }
}

module attributes {stable_mosaic.version = 14 : i64} {
  func.func @_c2_body(%arg0: i32, %arg1: i32, %arg2: memref<1x1x2048xf32, #tpu.memory_space<vmem>>, %arg3: memref<1x1x2048xf32, #tpu.memory_space<vmem>>, %arg4: memref<1x1x2048xf32, #tpu.memory_space<vmem>>, %arg5: memref<1x1x2048xf32, #tpu.memory_space<vmem>>, %arg6: memref<1x1x2048xf32, #tpu.memory_space<vmem>>, %arg7: memref<1x1x2048xf32, #tpu.memory_space<vmem>>, %arg8: memref<1x1x2048xf32, #tpu.memory_space<vmem>>, %arg9: memref<1x1x2048xf32, #tpu.memory_space<vmem>>, %arg10: memref<1x1x2048xf32, #tpu.memory_space<vmem>>, %arg11: memref<1x1x2048xf32, #tpu.memory_space<vmem>>, %arg12: memref<64x16xf32, #tpu.memory_space<vmem>>, %arg13: memref<64x1xf32, #tpu.memory_space<vmem>>, %arg14: memref<64x1xf32, #tpu.memory_space<vmem>>, %arg15: memref<64x1xf32, #tpu.memory_space<vmem>>, %arg16: memref<1x64x2xf32, #tpu.memory_space<vmem>>, %arg17: memref<1x64x2048xf32, #tpu.memory_space<vmem>>) attributes {dimension_semantics = [#tpu.dimension_semantics<arbitrary>, #tpu.dimension_semantics<arbitrary>], iteration_bounds = array<i64: 4, 8>, scalar_prefetch = 0 : i64, scratch_operands = 0 : i64, tpu.core_type = #tpu.core_type<tc>, window_params = [{transform_indices = @transform_0, window_bounds = array<i64: 1, 1, 2048>}, {transform_indices = @transform_1, window_bounds = array<i64: 1, 1, 2048>}, {transform_indices = @transform_2, window_bounds = array<i64: 1, 1, 2048>}, {transform_indices = @transform_3, window_bounds = array<i64: 1, 1, 2048>}, {transform_indices = @transform_4, window_bounds = array<i64: 1, 1, 2048>}, {transform_indices = @transform_5, window_bounds = array<i64: 1, 1, 2048>}, {transform_indices = @transform_6, window_bounds = array<i64: 1, 1, 2048>}, {transform_indices = @transform_7, window_bounds = array<i64: 1, 1, 2048>}, {transform_indices = @transform_8, window_bounds = array<i64: 1, 1, 2048>}, {transform_indices = @transform_9, window_bounds = array<i64: 1, 1, 2048>}, {pipeline_mode = #tpu.pipeline_mode<synchronous>, transform_indices = @transform_10, window_bounds = array<i64: 64, 16>}, {pipeline_mode = #tpu.pipeline_mode<synchronous>, transform_indices = @transform_11, window_bounds = array<i64: 64, 1>}, {pipeline_mode = #tpu.pipeline_mode<synchronous>, transform_indices = @transform_12, window_bounds = array<i64: 64, 1>}, {pipeline_mode = #tpu.pipeline_mode<synchronous>, transform_indices = @transform_13, window_bounds = array<i64: 64, 1>}, {transform_indices = @transform_14, window_bounds = array<i64: 1, 64, 2>}, {transform_indices = @transform_15, window_bounds = array<i64: 1, 64, 2048>}]} {
    %get3A = arith.constant 0 : index
    %get3A_0 = arith.constant 0 : index
    %get3A_1 = arith.constant 0 : index
    %get3A_2 = vector.load %arg2[%get3A, %get3A_0, %get3A_1] : memref<1x1x2048xf32, #tpu.memory_space<vmem>>, vector<1x1x2048xf32>
    %get3A_3 = vector.shape_cast %get3A_2 : vector<1x1x2048xf32> to vector<1x2048xf32>
    %get3A_4 = arith.constant 0 : index
    %get3A_5 = arith.constant 0 : index
    %get3A_6 = arith.constant 0 : index
    %get3A_7 = vector.load %arg3[%get3A_4, %get3A_5, %get3A_6] : memref<1x1x2048xf32, #tpu.memory_space<vmem>>, vector<1x1x2048xf32>
    %get3A_8 = vector.shape_cast %get3A_7 : vector<1x1x2048xf32> to vector<1x2048xf32>
    %get3A_9 = arith.constant 0 : index
    %get3A_10 = arith.constant 0 : index
    %get3A_11 = arith.constant 0 : index
    %get3A_12 = vector.load %arg4[%get3A_9, %get3A_10, %get3A_11] : memref<1x1x2048xf32, #tpu.memory_space<vmem>>, vector<1x1x2048xf32>
    %get3A_13 = vector.shape_cast %get3A_12 : vector<1x1x2048xf32> to vector<1x2048xf32>
    %get3A_14 = arith.constant 0 : index
    %get3A_15 = arith.constant 0 : index
    %get3A_16 = arith.constant 0 : index
    %get3A_17 = vector.load %arg5[%get3A_14, %get3A_15, %get3A_16] : memref<1x1x2048xf32, #tpu.memory_space<vmem>>, vector<1x1x2048xf32>
    %get3A_18 = vector.shape_cast %get3A_17 : vector<1x1x2048xf32> to vector<1x2048xf32>
    %get3A_19 = arith.constant 0 : index
    %get3A_20 = arith.constant 0 : index
    %get3A_21 = arith.constant 0 : index
    %get3A_22 = vector.load %arg6[%get3A_19, %get3A_20, %get3A_21] : memref<1x1x2048xf32, #tpu.memory_space<vmem>>, vector<1x1x2048xf32>
    %get3A_23 = vector.shape_cast %get3A_22 : vector<1x1x2048xf32> to vector<1x2048xf32>
    %get3A_24 = arith.constant 0 : index
    %get3A_25 = arith.constant 0 : index
    %get3A_26 = arith.constant 0 : index
    %get3A_27 = vector.load %arg7[%get3A_24, %get3A_25, %get3A_26] : memref<1x1x2048xf32, #tpu.memory_space<vmem>>, vector<1x1x2048xf32>
    %get3A_28 = vector.shape_cast %get3A_27 : vector<1x1x2048xf32> to vector<1x2048xf32>
    %get3A_29 = arith.constant 0 : index
    %get3A_30 = arith.constant 0 : index
    %get3A_31 = arith.constant 0 : index
    %get3A_32 = vector.load %arg8[%get3A_29, %get3A_30, %get3A_31] : memref<1x1x2048xf32, #tpu.memory_space<vmem>>, vector<1x1x2048xf32>
    %get3A_33 = vector.shape_cast %get3A_32 : vector<1x1x2048xf32> to vector<1x2048xf32>
    %get3A_34 = arith.constant 0 : index
    %get3A_35 = arith.constant 0 : index
    %get3A_36 = arith.constant 0 : index
    %get3A_37 = vector.load %arg9[%get3A_34, %get3A_35, %get3A_36] : memref<1x1x2048xf32, #tpu.memory_space<vmem>>, vector<1x1x2048xf32>
    %get3A_38 = vector.shape_cast %get3A_37 : vector<1x1x2048xf32> to vector<1x2048xf32>
    %get3A_39 = arith.constant 0 : index
    %get3A_40 = arith.constant 0 : index
    %get3A_41 = arith.constant 0 : index
    %get3A_42 = vector.load %arg10[%get3A_39, %get3A_40, %get3A_41] : memref<1x1x2048xf32, #tpu.memory_space<vmem>>, vector<1x1x2048xf32>
    %get3A_43 = vector.shape_cast %get3A_42 : vector<1x1x2048xf32> to vector<1x2048xf32>
    %get3A_44 = arith.constant 0 : index
    %get3A_45 = arith.constant 0 : index
    %get3A_46 = arith.constant 0 : index
    %get3A_47 = vector.load %arg11[%get3A_44, %get3A_45, %get3A_46] : memref<1x1x2048xf32, #tpu.memory_space<vmem>>, vector<1x1x2048xf32>
    %get3A_48 = vector.shape_cast %get3A_47 : vector<1x1x2048xf32> to vector<1x2048xf32>
    %div3A = arith.constant 1.000000e+00 : f32
    %div3A_49 = vector.broadcast %div3A : f32 to vector<1x2048xf32>
    %div3A_50 = arith.divf %div3A_49, %get3A_48 : vector<1x2048xf32>
    %mul3A = arith.mulf %get3A_33, %div3A_50 : vector<1x2048xf32>
    %mul3A_51 = arith.mulf %get3A_38, %div3A_50 : vector<1x2048xf32>
    %mul3A_52 = arith.mulf %get3A_43, %div3A_50 : vector<1x2048xf32>
    %sub3A = arith.constant -5.120000e+01 : f32
    %sub3A_53 = vector.broadcast %sub3A : f32 to vector<1x2048xf32>
    %sub3A_54 = arith.subf %get3A_3, %sub3A_53 : vector<1x2048xf32>
    %div3A_55 = arith.constant 4.000000e-01 : f32
    %div3A_56 = vector.broadcast %div3A_55 : f32 to vector<1x2048xf32>
    %div3A_57 = arith.divf %sub3A_54, %div3A_56 : vector<1x2048xf32>
    %floor3A = math.floor %div3A_57 : vector<1x2048xf32>
    %jit3A = arith.constant 0.000000e+00 : f32
    %jit3A_58 = arith.constant 2.550000e+02 : f32
    %max3A = vector.broadcast %jit3A : f32 to vector<1x2048xf32>
    %max3A_59 = arith.maximumf %max3A, %floor3A : vector<1x2048xf32>
    %min3A = vector.broadcast %jit3A_58 : f32 to vector<1x2048xf32>
    %min3A_60 = arith.minimumf %min3A, %max3A_59 : vector<1x2048xf32>
    %sub3A_61 = arith.constant -5.120000e+01 : f32
    %sub3A_62 = vector.broadcast %sub3A_61 : f32 to vector<1x2048xf32>
    %sub3A_63 = arith.subf %get3A_8, %sub3A_62 : vector<1x2048xf32>
    %div3A_64 = arith.constant 4.000000e-01 : f32
    %div3A_65 = vector.broadcast %div3A_64 : f32 to vector<1x2048xf32>
    %div3A_66 = arith.divf %sub3A_63, %div3A_65 : vector<1x2048xf32>
    %floor3A_67 = math.floor %div3A_66 : vector<1x2048xf32>
    %jit3A_68 = arith.constant 0.000000e+00 : f32
    %jit3A_69 = arith.constant 2.550000e+02 : f32
    %max3A_70 = vector.broadcast %jit3A_68 : f32 to vector<1x2048xf32>
    %max3A_71 = arith.maximumf %max3A_70, %floor3A_67 : vector<1x2048xf32>
    %min3A_72 = vector.broadcast %jit3A_69 : f32 to vector<1x2048xf32>
    %min3A_73 = arith.minimumf %min3A_72, %max3A_71 : vector<1x2048xf32>
    %add3A = arith.constant 5.000000e-01 : f32
    %add3A_74 = vector.broadcast %add3A : f32 to vector<1x2048xf32>
    %add3A_75 = arith.addf %min3A_60, %add3A_74 : vector<1x2048xf32>
    %mul3A_76 = arith.constant 4.000000e-01 : f32
    %mul3A_77 = vector.broadcast %mul3A_76 : f32 to vector<1x2048xf32>
    %mul3A_78 = arith.mulf %add3A_75, %mul3A_77 : vector<1x2048xf32>
    %add3A_79 = arith.constant -5.120000e+01 : f32
    %add3A_80 = vector.broadcast %add3A_79 : f32 to vector<1x2048xf32>
    %add3A_81 = arith.addf %mul3A_78, %add3A_80 : vector<1x2048xf32>
    %add3A_82 = arith.constant 5.000000e-01 : f32
    %add3A_83 = vector.broadcast %add3A_82 : f32 to vector<1x2048xf32>
    %add3A_84 = arith.addf %min3A_73, %add3A_83 : vector<1x2048xf32>
    %mul3A_85 = arith.constant 4.000000e-01 : f32
    %mul3A_86 = vector.broadcast %mul3A_85 : f32 to vector<1x2048xf32>
    %mul3A_87 = arith.mulf %add3A_84, %mul3A_86 : vector<1x2048xf32>
    %add3A_88 = arith.constant -5.120000e+01 : f32
    %add3A_89 = vector.broadcast %add3A_88 : f32 to vector<1x2048xf32>
    %add3A_90 = arith.addf %mul3A_87, %add3A_89 : vector<1x2048xf32>
    %sub3A_91 = arith.subf %get3A_3, %mul3A : vector<1x2048xf32>
    %sub3A_92 = arith.subf %get3A_8, %mul3A_51 : vector<1x2048xf32>
    %sub3A_93 = arith.subf %get3A_13, %mul3A_52 : vector<1x2048xf32>
    %sub3A_94 = arith.subf %get3A_3, %add3A_81 : vector<1x2048xf32>
    %sub3A_95 = arith.subf %get3A_8, %add3A_90 : vector<1x2048xf32>
    %broadcast_in_dim3A = arith.constant 0.000000e+00 : f32
    %broadcast_in_dim3A_96 = vector.broadcast %broadcast_in_dim3A : f32 to vector<5x2048xf32>
    %concatenate3A = tpu.concatenate %get3A_3, %get3A_8, %get3A_13, %get3A_18, %get3A_23, %get3A_28, %sub3A_91, %sub3A_92, %sub3A_93, %sub3A_94, %sub3A_95, %broadcast_in_dim3A_96 in 0 : vector<1x2048xf32>, vector<1x2048xf32>, vector<1x2048xf32>, vector<1x2048xf32>, vector<1x2048xf32>, vector<1x2048xf32>, vector<1x2048xf32>, vector<1x2048xf32>, vector<1x2048xf32>, vector<1x2048xf32>, vector<1x2048xf32>, vector<5x2048xf32> -> vector<16x2048xf32>
    %get3A_97 = arith.constant 0 : index
    %get3A_98 = arith.constant 0 : index
    %get3A_99 = vector.load %arg12[%get3A_97, %get3A_98] : memref<64x16xf32, #tpu.memory_space<vmem>>, vector<64x16xf32>
    %dot_general3A = arith.constant dense<0.000000e+00> : vector<64x2048xf32>
    %dot_general3A_100 = tpu.matmul %get3A_99, %concatenate3A, %dot_general3A {dimension_numbers = #tpu.dot_dimension_numbers<[1], [0], [0], [1], [0, 0, 1, 1], [], []>, transpose_lhs_hint = false} : vector<64x16xf32>, vector<16x2048xf32>, vector<64x2048xf32> -> vector<64x2048xf32>
    %get3A_101 = arith.constant 0 : index
    %get3A_102 = arith.constant 0 : index
    %get3A_103 = vector.load %arg13[%get3A_101, %get3A_102] : memref<64x1xf32, #tpu.memory_space<vmem>>, vector<64x1xf32>
    %add3A_104 = vector.broadcast %get3A_103 : vector<64x1xf32> to vector<64x2048xf32>
    %add3A_105 = arith.addf %dot_general3A_100, %add3A_104 : vector<64x2048xf32>
    %get3A_106 = arith.constant 0 : index
    %get3A_107 = arith.constant 0 : index
    %get3A_108 = arith.constant 0 : index
    %get3A_109 = vector.load %arg16[%get3A_106, %get3A_107, %get3A_108] : memref<1x64x2xf32, #tpu.memory_space<vmem>>, vector<1x64x1xf32>
    %get3A_110 = vector.shape_cast %get3A_109 : vector<1x64x1xf32> to vector<64x1xf32>
    %div3A_111 = arith.constant 1.638400e+04 : f32
    %div3A_112 = vector.broadcast %div3A_111 : f32 to vector<64x1xf32>
    %div3A_113 = arith.divf %get3A_110, %div3A_112 : vector<64x1xf32>
    %get3A_114 = arith.constant 0 : index
    %get3A_115 = arith.constant 0 : index
    %get3A_116 = arith.constant 1 : index
    %get3A_117 = vector.load %arg16[%get3A_114, %get3A_115, %get3A_116] : memref<1x64x2xf32, #tpu.memory_space<vmem>>, vector<1x64x1xf32>
    %get3A_118 = vector.shape_cast %get3A_117 : vector<1x64x1xf32> to vector<64x1xf32>
    %div3A_119 = arith.constant 1.638400e+04 : f32
    %div3A_120 = vector.broadcast %div3A_119 : f32 to vector<64x1xf32>
    %div3A_121 = arith.divf %get3A_118, %div3A_120 : vector<64x1xf32>
    %mul3A_122 = arith.mulf %div3A_113, %div3A_113 : vector<64x1xf32>
    %sub3A_123 = arith.subf %div3A_121, %mul3A_122 : vector<64x1xf32>
    %sub3A_124 = vector.broadcast %div3A_113 : vector<64x1xf32> to vector<64x2048xf32>
    %sub3A_125 = arith.subf %add3A_105, %sub3A_124 : vector<64x2048xf32>
    %add3A_126 = arith.constant 1.000000e-03 : f32
    %add3A_127 = vector.broadcast %add3A_126 : f32 to vector<64x1xf32>
    %add3A_128 = arith.addf %sub3A_123, %add3A_127 : vector<64x1xf32>
    %rsqrt3A = math.rsqrt %add3A_128 : vector<64x1xf32>
    %mul3A_129 = vector.broadcast %rsqrt3A : vector<64x1xf32> to vector<64x2048xf32>
    %mul3A_130 = arith.mulf %sub3A_125, %mul3A_129 : vector<64x2048xf32>
    %get3A_131 = arith.constant 0 : index
    %get3A_132 = arith.constant 0 : index
    %get3A_133 = vector.load %arg14[%get3A_131, %get3A_132] : memref<64x1xf32, #tpu.memory_space<vmem>>, vector<64x1xf32>
    %mul3A_134 = vector.broadcast %get3A_133 : vector<64x1xf32> to vector<64x2048xf32>
    %mul3A_135 = arith.mulf %mul3A_130, %mul3A_134 : vector<64x2048xf32>
    %get3A_136 = arith.constant 0 : index
    %get3A_137 = arith.constant 0 : index
    %get3A_138 = vector.load %arg15[%get3A_136, %get3A_137] : memref<64x1xf32, #tpu.memory_space<vmem>>, vector<64x1xf32>
    %add3A_139 = vector.broadcast %get3A_138 : vector<64x1xf32> to vector<64x2048xf32>
    %add3A_140 = arith.addf %mul3A_135, %add3A_139 : vector<64x2048xf32>
    %max3A_141 = arith.constant 0.000000e+00 : f32
    %max3A_142 = vector.broadcast %max3A_141 : f32 to vector<64x2048xf32>
    %max3A_143 = arith.maximumf %add3A_140, %max3A_142 : vector<64x2048xf32>
    %mul3A_144 = vector.broadcast %div3A_50 : vector<1x2048xf32> to vector<64x2048xf32>
    %mul3A_145 = arith.mulf %max3A_143, %mul3A_144 : vector<64x2048xf32>
    %swap3A = arith.constant 0 : index
    %swap3A_146 = arith.constant 0 : index
    %swap3A_147 = arith.constant 0 : index
    %swap3A_148 = vector.load %arg17[%swap3A, %swap3A_146, %swap3A_147] : memref<1x64x2048xf32, #tpu.memory_space<vmem>>, vector<1x64x2048xf32>
    %swap3A_149 = vector.shape_cast %swap3A_148 : vector<1x64x2048xf32> to vector<64x2048xf32>
    %swap3A_150 = vector.shape_cast %mul3A_145 : vector<64x2048xf32> to vector<1x64x2048xf32>
    tpu.vector_store %arg17[%swap3A, %swap3A_146, %swap3A_147], %swap3A_150 {strides = array<i32>} : memref<1x64x2048xf32, #tpu.memory_space<vmem>>, vector<1x64x2048xf32>,
    return
  }
  func.func @transform_0(%arg0: i32, %arg1: i32) -> (i32, i32, i32) {
    %mul3A = arith.constant 8 : i32
    %mul3A_0 = arith.muli %arg0, %mul3A : i32
    %add3A = arith.addi %mul3A_0, %arg1 : i32
    %c0_i32 = arith.constant 0 : i32
    %c0_i32_1 = arith.constant 0 : i32
    %c0_i32_2 = arith.constant 0 : i32
    return %add3A, %c0_i32, %c0_i32_1 : i32, i32, i32
  }
  func.func @transform_1(%arg0: i32, %arg1: i32) -> (i32, i32, i32) {
    %mul3A = arith.constant 8 : i32
    %mul3A_0 = arith.muli %arg0, %mul3A : i32
    %add3A = arith.addi %mul3A_0, %arg1 : i32
    %c0_i32 = arith.constant 0 : i32
    %c0_i32_1 = arith.constant 0 : i32
    %c0_i32_2 = arith.constant 0 : i32
    return %add3A, %c0_i32, %c0_i32_1 : i32, i32, i32
  }
  func.func @transform_2(%arg0: i32, %arg1: i32) -> (i32, i32, i32) {
    %mul3A = arith.constant 8 : i32
    %mul3A_0 = arith.muli %arg0, %mul3A : i32
    %add3A = arith.addi %mul3A_0, %arg1 : i32
    %c0_i32 = arith.constant 0 : i32
    %c0_i32_1 = arith.constant 0 : i32
    %c0_i32_2 = arith.constant 0 : i32
    return %add3A, %c0_i32, %c0_i32_1 : i32, i32, i32
  }
  func.func @transform_3(%arg0: i32, %arg1: i32) -> (i32, i32, i32) {
    %mul3A = arith.constant 8 : i32
    %mul3A_0 = arith.muli %arg0, %mul3A : i32
    %add3A = arith.addi %mul3A_0, %arg1 : i32
    %c0_i32 = arith.constant 0 : i32
    %c0_i32_1 = arith.constant 0 : i32
    %c0_i32_2 = arith.constant 0 : i32
    return %add3A, %c0_i32, %c0_i32_1 : i32, i32, i32
  }
  func.func @transform_4(%arg0: i32, %arg1: i32) -> (i32, i32, i32) {
    %mul3A = arith.constant 8 : i32
    %mul3A_0 = arith.muli %arg0, %mul3A : i32
    %add3A = arith.addi %mul3A_0, %arg1 : i32
    %c0_i32 = arith.constant 0 : i32
    %c0_i32_1 = arith.constant 0 : i32
    %c0_i32_2 = arith.constant 0 : i32
    return %add3A, %c0_i32, %c0_i32_1 : i32, i32, i32
  }
  func.func @transform_5(%arg0: i32, %arg1: i32) -> (i32, i32, i32) {
    %mul3A = arith.constant 8 : i32
    %mul3A_0 = arith.muli %arg0, %mul3A : i32
    %add3A = arith.addi %mul3A_0, %arg1 : i32
    %c0_i32 = arith.constant 0 : i32
    %c0_i32_1 = arith.constant 0 : i32
    %c0_i32_2 = arith.constant 0 : i32
    return %add3A, %c0_i32, %c0_i32_1 : i32, i32, i32
  }
  func.func @transform_6(%arg0: i32, %arg1: i32) -> (i32, i32, i32) {
    %mul3A = arith.constant 8 : i32
    %mul3A_0 = arith.muli %arg0, %mul3A : i32
    %add3A = arith.addi %mul3A_0, %arg1 : i32
    %c0_i32 = arith.constant 0 : i32
    %c0_i32_1 = arith.constant 0 : i32
    %c0_i32_2 = arith.constant 0 : i32
    return %add3A, %c0_i32, %c0_i32_1 : i32, i32, i32
  }
  func.func @transform_7(%arg0: i32, %arg1: i32) -> (i32, i32, i32) {
    %mul3A = arith.constant 8 : i32
    %mul3A_0 = arith.muli %arg0, %mul3A : i32
    %add3A = arith.addi %mul3A_0, %arg1 : i32
    %c0_i32 = arith.constant 0 : i32
    %c0_i32_1 = arith.constant 0 : i32
    %c0_i32_2 = arith.constant 0 : i32
    return %add3A, %c0_i32, %c0_i32_1 : i32, i32, i32
  }
  func.func @transform_8(%arg0: i32, %arg1: i32) -> (i32, i32, i32) {
    %mul3A = arith.constant 8 : i32
    %mul3A_0 = arith.muli %arg0, %mul3A : i32
    %add3A = arith.addi %mul3A_0, %arg1 : i32
    %c0_i32 = arith.constant 0 : i32
    %c0_i32_1 = arith.constant 0 : i32
    %c0_i32_2 = arith.constant 0 : i32
    return %add3A, %c0_i32, %c0_i32_1 : i32, i32, i32
  }
  func.func @transform_9(%arg0: i32, %arg1: i32) -> (i32, i32, i32) {
    %mul3A = arith.constant 8 : i32
    %mul3A_0 = arith.muli %arg0, %mul3A : i32
    %add3A = arith.addi %mul3A_0, %arg1 : i32
    %c0_i32 = arith.constant 0 : i32
    %c0_i32_1 = arith.constant 0 : i32
    %c0_i32_2 = arith.constant 0 : i32
    return %add3A, %c0_i32, %c0_i32_1 : i32, i32, i32
  }
  func.func @transform_10(%arg0: i32, %arg1: i32) -> (i32, i32) {
    %c0_i32 = arith.constant 0 : i32
    %c0_i32_0 = arith.constant 0 : i32
    %c0_i32_1 = arith.constant 0 : i32
    return %c0_i32, %c0_i32_0 : i32, i32
  }
  func.func @transform_11(%arg0: i32, %arg1: i32) -> (i32, i32) {
    %c0_i32 = arith.constant 0 : i32
    %c0_i32_0 = arith.constant 0 : i32
    %c0_i32_1 = arith.constant 0 : i32
    return %c0_i32, %c0_i32_0 : i32, i32
  }
  func.func @transform_12(%arg0: i32, %arg1: i32) -> (i32, i32) {
    %c0_i32 = arith.constant 0 : i32
    %c0_i32_0 = arith.constant 0 : i32
    %c0_i32_1 = arith.constant 0 : i32
    return %c0_i32, %c0_i32_0 : i32, i32
  }
  func.func @transform_13(%arg0: i32, %arg1: i32) -> (i32, i32) {
    %c0_i32 = arith.constant 0 : i32
    %c0_i32_0 = arith.constant 0 : i32
    %c0_i32_1 = arith.constant 0 : i32
    return %c0_i32, %c0_i32_0 : i32, i32
  }
  func.func @transform_14(%arg0: i32, %arg1: i32) -> (i32, i32, i32) {
    %c0_i32 = arith.constant 0 : i32
    %c0_i32_0 = arith.constant 0 : i32
    %c0_i32_1 = arith.constant 0 : i32
    return %arg0, %c0_i32, %c0_i32_0 : i32, i32, i32
  }
  func.func @transform_15(%arg0: i32, %arg1: i32) -> (i32, i32, i32) {
    %c0_i32 = arith.constant 0 : i32
    %c0_i32_0 = arith.constant 0 : i32
    return %arg0, %c0_i32, %arg1 : i32, i32, i32
  }
}

</mosaic_0001>

<sc_bundles>
// kernel: kernel.10.cloned.1.call-start
scs
__scs_entry_jumppad:
0x0: {  	(pc) =	sbr.rel $0x88, $3  }
0x1: {  	(tag) =	ssettag $0x0;
	lr =	simm.s32 $0x1  }
0x2: {  	[smem:$0x3F9C] =	sst lr;
	_ =	strace $0xD0000000  }
0x3: {  	_ = 	snop  }
0x4: {  	_ = 	snop  }
0x5: {  	_ = 	snop  }
0x6: {  	_ = 	snop  }
0x7: {  	_ = 	snop  }
__scs_overlays_trampoline_lowered:
0x8: {  	[smem:$0x3FAB] =	sst s0  }
0x9: {  	[smem:$0x3FAC] =	sst s1  }
0xa: {  	[smem:$0x3FAD] =	sst s2  }
0xb: {  	[smem:$0x3FAE] =	sst s3  }
0xc: {  	[smem:$0x3FAF] =	sst s4  }
0xd: {  	[smem:$0x3FB0] =	sst s5  }
0xe: {  	[smem:$0x3FB1] =	sst s6  }
0xf: {  	[smem:$0x3FB2] =	sst s7  }
0x10: {  	[smem:$0x3FB3] =	sst s8  }
0x11: {  	[smem:$0x3FB4] =	sst s9;
	s0 =	simm.s32 @!p0 $0x0  }
0x12: {  	s1 =	sld [smem:$0x3F9A];
	s0 =	simm.s32 @p0 $0x1  }
0x13: {  	[smem:$0x3FB5] =	sst s0;
	s0 =	simm.s32 @!p1 $0x0  }
0x14: {  	s2 =	sld [smem:$0x3F99];
	s0 =	simm.s32 @p1 $0x1  }
0x15: {  	[smem:$0x3FB6] =	sst s0;
	s0 =	simm.s32 @!p2 $0x0  }
0x16: {  	s3 =	sld [smem:$0x3FDB];
	s0 =	simm.s32 @p2 $0x1  }
0x17: {  	s4 =	simm.s32 $0x1BF5;
	[smem:$0x3FB8] =	sst s0  }
0x18: {  	s0 =	sld [smem:$0x3F9B];
	_ =	swait.ge [sflag:s4], $0x0  }
0x19: {  	s7 =	sld [smem:$0x3F9C]  }
0x1a: {  	s8 =	sadd.s32 $0xFFFFE003, lr  }
0x1b: {  	s9 =	sadd.s32 $0xFFFFFEF7, lr;
	s5 =	simm.s32 $0xFFFFFFFF;
	p2 =	slt.u32 s8, $0xFFFFF086  }
0x1c: {  	p1 =	slt.u32 s9, $0xF7A;
	s5 =	simm.s32 @!p2 $0x0  }
0x1d: {  	s5 =	simm.s32 @p1 $0x1;
	p0 =	seq.s32 s7, s2  }
0x1e: {  	s7 =	smul.u32 @!p0 $0xF7A, s2;
	p2 =	seq.s32 @!p0 s5, $0x0  }
0x1f: {  	s9 =	smul.u32 $0xF7A, s1;
	s8 =	simm.s32 @!p0 $0x1BF5;
	p2 =	por !p2, p0  }
0x20: {  	[sflag:s8] =	ssyncset.s32 @!p0 $0xFFFFF086;
	s6 =	sadd.s32 @!p0 s3, s7;
	s7 =	simm.s32 @!p0 $0x108  }
0x21: {  	s3 =	sadd.s32 s3, s9;
	s6 =	sadd.s32 @!p0 $0x88, s6;
	s7 =	simm.s32 @p2 $0x1082  }
0x22: {  	[simem:s7], [sflag:s8] =	dma.local @!p0 [hbm:s6], $0xF7A  }
0x23: {  	s9 =	sor.u32 $0xD0000000, s2;
	s6 =	simm.s32 $0x108;
	_ =	swait.ge @!p0 [sflag:s8], $0x0  }
0x24: {  	s3 =	sadd.s32 $0x88, s3;
	s6 =	simm.s32 @!p1 $0x1082;
	[sflag:s4] =	ssyncset.s32 $0xFFFFF086  }
0x25: {  	[simem:s6], [sflag:s4] =	dma.local [hbm:s3], $0xF7A  }
0x26: {  	[smem:$0x3F9C] =	sst s1;
	(tag) =	ssettag s2;
	_ =	strace s9  }
0x27: {  	s1 =	sld [smem:$0x3FAC]  }
0x28: {  	s2 =	sld [smem:$0x3FAD]  }
0x29: {  	s4 =	sld [smem:$0x3FAF]  }
0x2a: {  	p0 =	seq.s32 s5, $0x0;
	s5 =	sld [smem:$0x3FB0]  }
0x2b: {  	s6 =	sld [smem:$0x3FB1]  }
0x2c: {  	s7 =	sld [smem:$0x3FB2]  }
0x2d: {  	s3 =	simm.s32 $0x108;
	s8 =	sld [smem:$0x3FB3]  }
0x2e: {  	s3 =	simm.s32 @!p0 $0x1082;
	s9 =	sld [smem:$0x3FB4]  }
0x2f: {  	lr =	sadd.s32 s0, s3;
	s0 =	sld [smem:$0x3FAB]  }
0x30: {  	s3 =	sld [smem:$0x3FAE]  }
0x31: {  	[smem:$0x3FB7] =	sst s10  }
0x32: {  	s10 =	sld [smem:$0x3FB5];
	_ =	sdelay $0x3  }
0x33: {  	p0 =	seq.s32 s10, $0x1;
	s10 =	sld [smem:$0x3FB7];
	_ =	sdelay $0x3  }
0x34: {  	[smem:$0x3FB7] =	sst s10  }
0x35: {  	s10 =	sld [smem:$0x3FB6];
	_ =	sdelay $0x3  }
0x36: {  	p1 =	seq.s32 s10, $0x1;
	s10 =	sld [smem:$0x3FB7];
	_ =	sdelay $0x3  }
0x37: {  	[smem:$0x3FB7] =	sst s10  }
0x38: {  	s10 =	sld [smem:$0x3FB8]  }
0x39: {  	_ = 	snop;
	(pc) =	sbr.ind lr, $3  }
0x3a: {  	_ = 	snop  }
0x3b: {  	_ = 	snop  }
0x3c: {  	p2 =	seq.s32 s10, $0x1;
	s10 =	sld [smem:$0x3FB7]  }
0x3d: {  	_ =	shalt  }
0x3e: {  	_ =	shalt  }
0x3f: {  	_ =	shalt  }
0x40: {  	_ =	shalt  }
0x41: {  	_ =	shalt  }
0x42: {  	_ =	shalt  }
0x43: {  	_ =	shalt  }
0x44: {  	_ =	shalt  }
0x45: {  	_ =	shalt  }
0x46: {  	_ =	shalt  }
0x47: {  	_ =	shalt  }
0x48: {  	_ =	shalt  }
0x49: {  	_ =	shalt  }
0x4a: {  	_ =	shalt  }
0x4b: {  	_ =	shalt  }
0x4c: {  	_ =	shalt  }
0x4d: {  	_ =	shalt  }
0x4e: {  	_ =	shalt  }
0x4f: {  	_ =	shalt  }
0x50: {  	_ =	shalt  }
0x51: {  	_ =	shalt  }
0x52: {  	_ =	shalt  }
0x53: {  	_ =	shalt  }
0x54: {  	_ =	shalt  }
0x55: {  	_ =	shalt  }
0x56: {  	_ =	shalt  }
0x57: {  	_ =	shalt  }
0x58: {  	_ =	shalt  }
0x59: {  	_ =	shalt  }
0x5a: {  	_ =	shalt  }
0x5b: {  	_ =	shalt  }
0x5c: {  	_ =	shalt  }
0x5d: {  	_ =	shalt  }
0x5e: {  	_ =	shalt  }
0x5f: {  	_ =	shalt  }
0x60: {  	_ =	shalt  }
0x61: {  	_ =	shalt  }
0x62: {  	_ =	shalt  }
0x63: {  	_ =	shalt  }
0x64: {  	_ =	shalt  }
0x65: {  	_ =	shalt  }
0x66: {  	_ =	shalt  }
0x67: {  	_ =	shalt  }
0x68: {  	_ =	shalt  }
0x69: {  	_ =	shalt  }
0x6a: {  	_ =	shalt  }
0x6b: {  	_ =	shalt  }
0x6c: {  	_ =	shalt  }
0x6d: {  	_ =	shalt  }
0x6e: {  	_ =	shalt  }
0x6f: {  	_ =	shalt  }
0x70: {  	_ =	shalt  }
0x71: {  	_ =	shalt  }
0x72: {  	_ =	shalt  }
0x73: {  	_ =	shalt  }
0x74: {  	_ =	shalt  }
0x75: {  	_ =	shalt  }
0x76: {  	_ =	shalt  }
0x77: {  	_ =	shalt  }
0x78: {  	_ =	shalt  }
0x79: {  	_ =	shalt  }
0x7a: {  	_ =	shalt  }
0x7b: {  	_ =	shalt  }
0x7c: {  	_ =	shalt  }
0x7d: {  	_ =	shalt  }
0x7e: {  	_ =	shalt  }
0x7f: {  	_ =	shalt  }
0x80: {  	_ =	shalt  }
0x81: {  	_ =	shalt  }
0x82: {  	_ =	shalt  }
0x83: {  	_ =	shalt  }
0x84: {  	_ =	shalt  }
0x85: {  	_ =	shalt  }
0x86: {  	_ =	shalt  }
0x87: {  	_ =	shalt  }
.Lfunc_end0:
.L_simem_size_0:
called_computation.2_lowered:
.L_overlay_start_0:
0x88: {  	s2 =	sld [smem:$0x3FD9]  }
0x89: {  	s3 =	sld [smem:$0x3FFE];
	_ =	sdelay $0x1  }
0x8a: {  	s1 =	srdreg.scid  }
0x8b: {  	s0 =	sand.u32 $0x1, s1  }
0x8c: {  	s17 =	sshll.u32 s0, $0xA;
	s2 =	sadd.s32 s3, s2  }
0x8d: {  	s2 =	sadd.s32 s2, s17  }
0x8e: {  	[smem:$0x3FC3] =	sst s2  }
0x8f: {  	_ = 	snop  }
0x90: {  	s2 =	sld [smem:$0x3FD0];
	(tm) =	ssettm $0x1  }
0x91: {  	s18 =	sld [smem:$0x3FFB];
	_ =	sdelay $0x3  }
0x92: {  	_ =	strace s18  }
0x93: {  	s3 =	sld [smem:$0x3FFC];
	_ =	sdelay $0x3  }
0x94: {  	_ =	strace s3  }
0x95: {  	s3 =	sld [smem:$0x3FFD];
	_ =	sdelay $0x3  }
0x96: {  	_ =	strace s3  }
0x97: {  	_ =	strace $0x8FFFFFFF  }
0x98: {  	s19 =	sld [smem:$0x3FDB];
	_ =	sdelay $0x1  }
0x99: {  	s4 =	simm.s32 $_scs_section_size  }
0x9a: {  	s5 =	simm.s32 $_size__tile_overlayer_lowered;
	s6 =	simm.s32 $_tile_overlayer_lowered  }
0x9b: {  	s22 =	simm.s32 $0x1BFF;
	s21 =	sshll.u32 s6, $0x1;
	s3 =	sadd.s32 s4, s19  }
0x9c: {  	s7 =	simm.s32 $0x0;
	s20 =	sshll.u32 s5, $0x1;
	s5 =	sadd.s32 s21, s3  }
0x9d: {  	[timem:s7], [sflag:s22] =	dma.local [hbm:s5], s20  }
0x9e: {  	_ =	swait.ge [sflag:s22], s20  }
0x9f: {  	s4 =	ssub.s32 $0x0, s20;
	[sflag:s22] =	ssyncset.done $0x0  }
0xa0: {  	[sflag:s22] =	ssyncadd.s32 s4;
	_ =	sdelay $0x1  }
0xa1: {  	s23 =	simm.s32 $0x1B8B  }
0xa2: {  	_ =	swait.ge [sflag:s23], $0x1  }
0xa3: {  	[sflag:s23] =	ssyncset.done $0x0  }
0xa4: {  	s25 =	simm.s32 $0x1B8E;
	s24 =	sld [smem:$0x3FFE];
	[sflag:s23] =	ssyncadd.s32 $0xFFFFFFFF  }
0xa5: {  	s26 =	simm.s32 $execute0_lowered;
	[smem:$0x3FD2] =	sst s25  }
0xa6: {  	s5 =	sshll.u32 s26, $0x1;
	_ =	strace $0x80000049;
	[dreg:$0x1] =	wrdreg $0xFFFFFFFF  }
0xa7: {  	s28 =	simm.s32 $_size_execute0_lowered;
	s3 =	sadd.s32 s3, s5;
	[dreg:$0x0] =	wrdreg $0x0  }
0xa8: {  	s5 =	sshll.u32 s28, $0x1;
	[dreg:$0x2] =	wrdreg s3  }
0xa9: {  	[dreg:$0x3] =	wrdreg s5  }
0xaa: {  	[dreg:$0x4] =	wrdreg $0xC0  }
0xab: {  	_ =	task [dreg:s7], $0x5FFFF  }
0xac: {  	[dreg:$0x1] =	wrdreg $0xFFFFFFFF  }
0xad: {  	[dreg:$0x0] =	wrdreg $0x60  }
0xae: {  	[dreg:$0x2] =	wrdreg s2  }
0xaf: {  	[dreg:$0x3] =	wrdreg s24  }
0xb0: {  	[dreg:$0x4] =	wrdreg $0x9  }
0xb1: {  	_ =	task.clear_ibuf [dreg:s7], $0x5FFFF;
	_ =	strace $0x90000049  }
0xb2: {  	s29 =	simm.s32 $0x9;
	_ =	strace $0x8000004B  }
0xb3: {  	_ =	swait.ge [sflag:s29], $0x1  }
0xb4: {  	[sflag:s29] =	ssyncadd.s32 $0xFFFFFFFF  }
0xb5: {  	_ =	strace $0x9000004B  }
0xb6: {  	_ =	sfence  }
0xb7: {  	s30 =	sld [smem:$0x0];
	_ =	sdelay $0x2  }
0xb8: {  	s31 =	sshll.u32 s1, $0xD;
	s1 =	sshrl.u32 s1, $0x2  }
0xb9: {  	s3 =	sand.u32 $0x4000, s31;
	s1 =	sadd.s32 s1, s30  }
0xba: {  	s0 =	sor.u32 s3, s0;
	s1 =	sshll.u32 s1, $0x11  }
0xbb: {  	s0 =	sor.u32 s1, s0  }
0xbc: {  	s0 =	sadd.s32 $0x8F2B, s0  }
0xbd: {  	[sflag:s0] =	ssyncadd.remote.s32 $0x1  }
0xbe: {  	_ =	sfence.sel $0xFFFF  }
0xbf: {  	[dreg:$0x0] =	wrdreg $0xFFFFFFFF;
	(pc) =	sbr.abs _section_cstart, $3  }
0xc0: {  	[dreg:$0x1] =	wrdreg $0xFFFFFFFF  }
0xc1: {  	_ =	task.clear_ibuf [dreg:s7], $0x2FFFF;
	_ =	strace $0x9FFFFFFF  }
0xc2: {  	(tm) =	ssettm $0x7FFFFFFF  }
0xc3: {  	_ =	shalt  }
tec
execute0_lowered:
.L_overlay_start_1:
0x0: {  	(tag) =	ssettag $0x1  }
0x1: {  	s1 =	rddreg [dreg:$0x0]  }
0x2: {  	s5 =	rddreg [dreg:$0x1]  }
0x3: {  	s0 =	rddreg [dreg:$0x2];
	s2 =	simm.s32 $0x0;
	s3 =	srdreg.scid  }
0x4: {  	s10 =	simm.s32 $0x400;
	s11 =	simm.s32 $0x4000;
	s12 =	simm.s32 $0x1  }
0x5: {  	s13 =	simm.s32 $0x8000;
	[smem:$0x7FF] =	sst s2;
	s6 =	sand.u32 $0x1, s3  }
0x6: {  	s4 =	sadd.s32 $0x1400, s5;
	s3 =	stileid.u32;
	s7 =	ssub.s32 $0x2, s6  }
0x7: {  	s5 =	sadd.s32 $0x3400, s5;
	_ =	strace $0x8000004A;
	s8 =	sshrl.u32 s7, $0x1  }
0x8: {  	s9 =	sshll.u32 s3, $0x7;
	s6 =	sshll.u32 s6, $0x1;
	s8 =	ssub.s32 s7, s8  }
0x9: {  	v0 =	vimm.f32 $0.0e+00;
	s7 =	sand.u32 $0x380, s9;
	s9 =	simm.s32 $0x80;
	s8 =	smax.u32 s8, $0x1  }
.LBB2_1:
0xa: {  	s15 =	simm.s32 $0x0;
	s14 =	simm.s32 $0x200  }
.LBB2_2:
0xb: {  	p0 =	sne.s32 s14, $0x3FE00;
	[tilespmem:s15+$0x8070] =	vst v0  }
0xc: {  	[tilespmem:s15+$0x8000] =	vst v0  }
0xd: {  	[tilespmem:s15+$0x8010] =	vst v0  }
.Ltmp0:
0xe: {  	[tilespmem:s15+$0x8020] =	vst v0;
	(pc) =	sbr.rel @p0 .LBB2_2-.Ltmp0, $4  }
0xf: {  	[tilespmem:s15+$0x8030] =	vst v0  }
0x10: {  	[tilespmem:s15+$0x8040] =	vst v0  }
0x11: {  	[tilespmem:s15+$0x8050] =	vst v0  }
0x12: {  	[tilespmem:s15+$0x8060] =	vst v0;
	s15 =	sshra.s32 s14, $0x2;
	s14 =	sadd.s32 $0x200, s14  }
0x13: {  	[tilespmem:s15+$0x8070] =	vst v0  }
0x14: {  	[tilespmem:s15+$0x8000] =	vst v0  }
0x15: {  	[tilespmem:s15+$0x8010] =	vst v0  }
0x16: {  	[tilespmem:s15+$0x8020] =	vst v0  }
0x17: {  	[tilespmem:s15+$0x8030] =	vst v0  }
0x18: {  	[tilespmem:s15+$0x8040] =	vst v0  }
0x19: {  	[tilespmem:s15+$0x8050] =	vst v0  }
0x1a: {  	s14 =	simm.s32 $0x0;
	[tilespmem:s15+$0x8060] =	vst v0  }
.LBB2_4:
0x1b: {  	s15 =	sshrl.u32 s14, $0x2;
	s16 =	sand.u32 $0x3, s14  }
0x1c: {  	s15 =	sadd.s32 s6, s15;
	p0 =	sne.s32 s16, $0x0  }
0x1d: {  	s16 =	sshll.u32 s16, $0x4;
	s17 =	sshll.u32 @!p0 s15, $0x4  }
0x1e: {  	s16 =	sor.u32 s3, s16;
	s18 =	simm.s32 @!p0 $0x80;
	s19 =	simm.s32 @!p0 $0x200  }
0x1f: {  	s20 =	simm.s32 @!p0 $0x0;
	s17 =	sadd.s32 @!p0 s4, s17;
	s16 =	sshrl.u32 s16, $0x3  }
0x20: {  	[tilespmem:s20], [sflag:$0x1] =	stream.strided.gather @!p0 [hbm4b:s17+s18], $0x4000, s19, s18, $0x38;
	[tilespmem:$0x18000] =	vst v63  }
0x21: {  	s30 =	sshll.u32 s15, $0x14;
	s31 =	sshll.u32 s16, $0x11  }
0x22: {  	s19 =	simm.s32 @!p0 $0x1;
	s17 =	sor.u32 s30, s31  }
0x23: {  	_ =	swait.ge @!p0 [sflag:s19], $0x4000;
	s17 =	sor.u32 s7, s17  }
0x24: {  	[sflag:s19] =	ssyncset.done @!p0 $0x0;
	s17 =	sshrl.u32 s17, $0x3  }
0x25: {  	[sflag:s19] =	ssyncadd.s32 @!p0 $0xFFFFC000;
	s17 =	sadd.s32 s1, s17  }
0x26: {  	[tilespmem:s11], [sflag:$0x1] =	stream.strided.gather [hbm4b:s17+s9], $0x4000, s10, s9, $0x38;
	[tilespmem:$0x18000] =	vst v63  }
0x27: {  	_ =	swait.ge [sflag:s12], $0x4000  }
0x28: {  	[sflag:s12] =	ssyncset.done $0x0  }
0x29: {  	s17 =	simm.s32 $0x0;
	[sflag:s12] =	ssyncadd.s32 $0xFFFFC000  }
.LBB2_5:
0x2a: {  	s18 =	sshra.s32 s17, $0x2  }
0x2b: {  	v1 =	vld [tilespmem:s18+$0x0];
	_ =	sdelay $0x2  }
0x2c: {  	v2 =	vld [tilespmem:s18+$0x4000];
	_ =	sdelay $0x4  }
0x2d: {  	[tilespmem:v1+s13+$0x0] =	vst.idx.add.f32.msk $0xffff, v2  }
0x2e: {  	v1 =	vld [tilespmem:s18+$0x10];
	_ =	sdelay $0x2  }
0x2f: {  	v2 =	vld [tilespmem:s18+$0x4010];
	_ =	sdelay $0x4  }
0x30: {  	[tilespmem:v1+s13+$0x0] =	vst.idx.add.f32.msk $0xffff, v2  }
0x31: {  	v1 =	vld [tilespmem:s18+$0x20];
	_ =	sdelay $0x2  }
0x32: {  	v2 =	vld [tilespmem:s18+$0x4020];
	_ =	sdelay $0x4  }
0x33: {  	[tilespmem:v1+s13+$0x0] =	vst.idx.add.f32.msk $0xffff, v2  }
0x34: {  	v1 =	vld [tilespmem:s18+$0x30];
	_ =	sdelay $0x2  }
0x35: {  	v2 =	vld [tilespmem:s18+$0x4030];
	_ =	sdelay $0x4  }
0x36: {  	[tilespmem:v1+s13+$0x0] =	vst.idx.add.f32.msk $0xffff, v2  }
0x37: {  	v1 =	vld [tilespmem:s18+$0x40];
	_ =	sdelay $0x2  }
0x38: {  	v2 =	vld [tilespmem:s18+$0x4040];
	_ =	sdelay $0x4  }
0x39: {  	[tilespmem:v1+s13+$0x0] =	vst.idx.add.f32.msk $0xffff, v2  }
0x3a: {  	v1 =	vld [tilespmem:s18+$0x50];
	_ =	sdelay $0x2  }
0x3b: {  	v2 =	vld [tilespmem:s18+$0x4050];
	_ =	sdelay $0x4  }
0x3c: {  	[tilespmem:v1+s13+$0x0] =	vst.idx.add.f32.msk $0xffff, v2  }
0x3d: {  	v1 =	vld [tilespmem:s18+$0x60];
	_ =	sdelay $0x2  }
0x3e: {  	v2 =	vld [tilespmem:s18+$0x4060];
	_ =	sdelay $0x4  }
0x3f: {  	[tilespmem:v1+s13+$0x0] =	vst.idx.add.f32.msk $0xffff, v2  }
0x40: {  	v1 =	vld [tilespmem:s18+$0x70];
	_ =	sdelay $0x2  }
0x41: {  	p0 =	sne.s32 s17, $0xFE00;
	v2 =	vld [tilespmem:s18+$0x4070]  }
.Ltmp1:
0x42: {  	_ = 	snop;
	(pc) =	sbr.rel @p0 .LBB2_5-.Ltmp1, $2  }
0x43: {  	_ =	sdelay $0x2  }
0x44: {  	s17 =	sadd.s32 $0x200, s17;
	[tilespmem:v1+s13+$0x0] =	vst.idx.add.f32.msk $0xffff, v2  }
0x45: {  	s15 =	sshll.u32 s15, $0x16;
	s16 =	sshll.u32 s16, $0x13  }
0x46: {  	s15 =	sor.u32 s15, s16  }
0x47: {  	s15 =	sor.u32 s7, s15  }
0x48: {  	s15 =	sshrl.u32 s15, $0x3  }
0x49: {  	s15 =	sadd.s32 s5, s15  }
0x4a: {  	[hbm4b:s15+s9] =	stream.strided.scatter [tilespmem:s13], [sflag:$0x1], $0x10000, s10, s9, $0x38;
	[tilespmem:$0x18000] =	vst v63  }
0x4b: {  	_ =	swait.ge [sflag:s12], $0x10000  }
0x4c: {  	[sflag:s12] =	ssyncset.done $0x0  }
0x4d: {  	s15 =	simm.s32 $0x0;
	[sflag:s12] =	ssyncadd.s32 $0xFFFF0000  }
.LBB2_7:
0x4e: {  	s16 =	sshra.s32 s15, $0x2  }
0x4f: {  	v1 =	vld [tilespmem:s16+$0x0];
	_ =	sdelay $0x7  }
0x50: {  	[tilespmem:v1+s13+$0x0] =	vst.idx.msk $0xffff, v0  }
0x51: {  	v1 =	vld [tilespmem:s16+$0x10];
	_ =	sdelay $0x7  }
0x52: {  	[tilespmem:v1+s13+$0x0] =	vst.idx.msk $0xffff, v0  }
0x53: {  	v1 =	vld [tilespmem:s16+$0x20];
	_ =	sdelay $0x7  }
0x54: {  	[tilespmem:v1+s13+$0x0] =	vst.idx.msk $0xffff, v0  }
0x55: {  	v1 =	vld [tilespmem:s16+$0x30];
	_ =	sdelay $0x7  }
0x56: {  	[tilespmem:v1+s13+$0x0] =	vst.idx.msk $0xffff, v0  }
0x57: {  	v1 =	vld [tilespmem:s16+$0x40];
	_ =	sdelay $0x7  }
0x58: {  	[tilespmem:v1+s13+$0x0] =	vst.idx.msk $0xffff, v0  }
0x59: {  	v1 =	vld [tilespmem:s16+$0x50];
	_ =	sdelay $0x7  }
0x5a: {  	[tilespmem:v1+s13+$0x0] =	vst.idx.msk $0xffff, v0  }
0x5b: {  	v1 =	vld [tilespmem:s16+$0x60];
	_ =	sdelay $0x7  }
0x5c: {  	[tilespmem:v1+s13+$0x0] =	vst.idx.msk $0xffff, v0  }
0x5d: {  	v1 =	vld [tilespmem:s16+$0x70];
	_ =	sdelay $0x2  }
0x5e: {  	p0 =	sne.s32 s15, $0xFE00  }
.Ltmp2:
0x5f: {  	_ = 	snop;
	(pc) =	sbr.rel @p0 .LBB2_7-.Ltmp2, $2  }
0x60: {  	_ =	sdelay $0x2  }
0x61: {  	s15 =	sadd.s32 $0x200, s15;
	[tilespmem:v1+s13+$0x0] =	vst.idx.msk $0xffff, v0  }
0x62: {  	s14 =	sadd.s32 $0x1, s14  }
0x63: {  	p0 =	sne.s32 s14, $0x8  }
.Ltmp3:
0x64: {  	_ = 	snop;
	(pc) =	sbr.rel @p0 .LBB2_4-.Ltmp3, $1  }
0x65: {  	_ =	sdelay $0x3  }
0x66: {  	s2 =	sadd.s32 $0x1, s2  }
0x67: {  	p0 =	sne.s32 s2, s8  }
.Ltmp4:
0x68: {  	_ = 	snop;
	(pc) =	sbr.rel @p0 .LBB2_1-.Ltmp4, $1  }
0x69: {  	_ =	sdelay $0x3  }
0x6a: {  	_ =	sfence.sel $0x180000  }
0x6b: {  	[bflag:$0x0] =	sbarrier.arrive $0xFFFF  }
0x6c: {  	p0 =	sne.s32 s3, $0x0;
	_ =	strace $0x9000004A  }
0x6d: {  	s0 =	sadd.s32 @!p0 $0x100000, s0;
	[bflag:$0x2] =	sbarrier.arrive $0xFFFF  }
0x6e: {  	[sflag:s0] =	ssyncadd.tile.s32 @!p0 $0x1;
	_ =	shalt  }
.Lfunc_end2:
_tile_overlayer_lowered:
.L_overlay_start_2:
0x6f: {  	(tag) =	ssettag $0x2  }
0x70: {  	s0 =	rddreg [dreg:$0x0];
	s2 =	stileid.u32  }
0x71: {  	s1 =	rddreg [dreg:$0x1];
	p0 =	sne.s32 s2, $0x0  }
0x72: {  	s3 =	rddreg [dreg:$0x2];
	[bflag:$0x3] =	sbarrier.arrive $0xFFFF;
	s2 =	simm.s32 @!p0 $0x1C01  }
0x73: {  	[timem:s3], [sflag:s2] =	dma.local @!p0 [hbm:s0], s1  }
0x74: {  	s0 =	simm.s32 @!p0 $0x1  }
0x75: {  	_ =	swait.ge @!p0 [sflag:s0], s1  }
0x76: {  	s1 =	ssub.s32 @!p0 $0x0, s1;
	[sflag:s0] =	ssyncset.done @!p0 $0x0  }
0x77: {  	[sflag:s0] =	ssyncadd.s32 @!p0 s1  }
0x78: {  	[bflag:$0x3] =	sbarrier.arrive $0xFFFF  }
0x79: {  	_ =	shalt  }

// kernel: kernel.7.cloned.1.call-start
scs
__scs_entry_jumppad:
0x0: {  	(pc) =	sbr.rel $0x88, $3  }
0x1: {  	(tag) =	ssettag $0x0;
	lr =	simm.s32 $0x1  }
0x2: {  	[smem:$0x3F9C] =	sst lr;
	_ =	strace $0xD0000000  }
0x3: {  	_ = 	snop  }
0x4: {  	_ = 	snop  }
0x5: {  	_ = 	snop  }
0x6: {  	_ = 	snop  }
0x7: {  	_ = 	snop  }
__scs_overlays_trampoline_lowered:
0x8: {  	[smem:$0x3FAB] =	sst s0  }
0x9: {  	[smem:$0x3FAC] =	sst s1  }
0xa: {  	[smem:$0x3FAD] =	sst s2  }
0xb: {  	[smem:$0x3FAE] =	sst s3  }
0xc: {  	[smem:$0x3FAF] =	sst s4  }
0xd: {  	[smem:$0x3FB0] =	sst s5  }
0xe: {  	[smem:$0x3FB1] =	sst s6  }
0xf: {  	[smem:$0x3FB2] =	sst s7  }
0x10: {  	[smem:$0x3FB3] =	sst s8  }
0x11: {  	[smem:$0x3FB4] =	sst s9;
	s0 =	simm.s32 @!p0 $0x0  }
0x12: {  	s1 =	sld [smem:$0x3F9A];
	s0 =	simm.s32 @p0 $0x1  }
0x13: {  	[smem:$0x3FB5] =	sst s0;
	s0 =	simm.s32 @!p1 $0x0  }
0x14: {  	s2 =	sld [smem:$0x3F99];
	s0 =	simm.s32 @p1 $0x1  }
0x15: {  	[smem:$0x3FB6] =	sst s0;
	s0 =	simm.s32 @!p2 $0x0  }
0x16: {  	s3 =	sld [smem:$0x3FDB];
	s0 =	simm.s32 @p2 $0x1  }
0x17: {  	s4 =	simm.s32 $0x1BF5;
	[smem:$0x3FB8] =	sst s0  }
0x18: {  	s0 =	sld [smem:$0x3F9B];
	_ =	swait.ge [sflag:s4], $0x0  }
0x19: {  	s7 =	sld [smem:$0x3F9C]  }
0x1a: {  	s8 =	sadd.s32 $0xFFFFE003, lr  }
0x1b: {  	s9 =	sadd.s32 $0xFFFFFEF7, lr;
	s5 =	simm.s32 $0xFFFFFFFF;
	p2 =	slt.u32 s8, $0xFFFFF086  }
0x1c: {  	p1 =	slt.u32 s9, $0xF7A;
	s5 =	simm.s32 @!p2 $0x0  }
0x1d: {  	s5 =	simm.s32 @p1 $0x1;
	p0 =	seq.s32 s7, s2  }
0x1e: {  	s7 =	smul.u32 @!p0 $0xF7A, s2;
	p2 =	seq.s32 @!p0 s5, $0x0  }
0x1f: {  	s9 =	smul.u32 $0xF7A, s1;
	s8 =	simm.s32 @!p0 $0x1BF5;
	p2 =	por !p2, p0  }
0x20: {  	[sflag:s8] =	ssyncset.s32 @!p0 $0xFFFFF086;
	s6 =	sadd.s32 @!p0 s3, s7;
	s7 =	simm.s32 @!p0 $0x108  }
0x21: {  	s3 =	sadd.s32 s3, s9;
	s6 =	sadd.s32 @!p0 $0x88, s6;
	s7 =	simm.s32 @p2 $0x1082  }
0x22: {  	[simem:s7], [sflag:s8] =	dma.local @!p0 [hbm:s6], $0xF7A  }
0x23: {  	s9 =	sor.u32 $0xD0000000, s2;
	s6 =	simm.s32 $0x108;
	_ =	swait.ge @!p0 [sflag:s8], $0x0  }
0x24: {  	s3 =	sadd.s32 $0x88, s3;
	s6 =	simm.s32 @!p1 $0x1082;
	[sflag:s4] =	ssyncset.s32 $0xFFFFF086  }
0x25: {  	[simem:s6], [sflag:s4] =	dma.local [hbm:s3], $0xF7A  }
0x26: {  	[smem:$0x3F9C] =	sst s1;
	(tag) =	ssettag s2;
	_ =	strace s9  }
0x27: {  	s1 =	sld [smem:$0x3FAC]  }
0x28: {  	s2 =	sld [smem:$0x3FAD]  }
0x29: {  	s4 =	sld [smem:$0x3FAF]  }
0x2a: {  	p0 =	seq.s32 s5, $0x0;
	s5 =	sld [smem:$0x3FB0]  }
0x2b: {  	s6 =	sld [smem:$0x3FB1]  }
0x2c: {  	s7 =	sld [smem:$0x3FB2]  }
0x2d: {  	s3 =	simm.s32 $0x108;
	s8 =	sld [smem:$0x3FB3]  }
0x2e: {  	s3 =	simm.s32 @!p0 $0x1082;
	s9 =	sld [smem:$0x3FB4]  }
0x2f: {  	lr =	sadd.s32 s0, s3;
	s0 =	sld [smem:$0x3FAB]  }
0x30: {  	s3 =	sld [smem:$0x3FAE]  }
0x31: {  	[smem:$0x3FB7] =	sst s10  }
0x32: {  	s10 =	sld [smem:$0x3FB5];
	_ =	sdelay $0x3  }
0x33: {  	p0 =	seq.s32 s10, $0x1;
	s10 =	sld [smem:$0x3FB7];
	_ =	sdelay $0x3  }
0x34: {  	[smem:$0x3FB7] =	sst s10  }
0x35: {  	s10 =	sld [smem:$0x3FB6];
	_ =	sdelay $0x3  }
0x36: {  	p1 =	seq.s32 s10, $0x1;
	s10 =	sld [smem:$0x3FB7];
	_ =	sdelay $0x3  }
0x37: {  	[smem:$0x3FB7] =	sst s10  }
0x38: {  	s10 =	sld [smem:$0x3FB8]  }
0x39: {  	_ = 	snop;
	(pc) =	sbr.ind lr, $3  }
0x3a: {  	_ = 	snop  }
0x3b: {  	_ = 	snop  }
0x3c: {  	p2 =	seq.s32 s10, $0x1;
	s10 =	sld [smem:$0x3FB7]  }
0x3d: {  	_ =	shalt  }
0x3e: {  	_ =	shalt  }
0x3f: {  	_ =	shalt  }
0x40: {  	_ =	shalt  }
0x41: {  	_ =	shalt  }
0x42: {  	_ =	shalt  }
0x43: {  	_ =	shalt  }
0x44: {  	_ =	shalt  }
0x45: {  	_ =	shalt  }
0x46: {  	_ =	shalt  }
0x47: {  	_ =	shalt  }
0x48: {  	_ =	shalt  }
0x49: {  	_ =	shalt  }
0x4a: {  	_ =	shalt  }
0x4b: {  	_ =	shalt  }
0x4c: {  	_ =	shalt  }
0x4d: {  	_ =	shalt  }
0x4e: {  	_ =	shalt  }
0x4f: {  	_ =	shalt  }
0x50: {  	_ =	shalt  }
0x51: {  	_ =	shalt  }
0x52: {  	_ =	shalt  }
0x53: {  	_ =	shalt  }
0x54: {  	_ =	shalt  }
0x55: {  	_ =	shalt  }
0x56: {  	_ =	shalt  }
0x57: {  	_ =	shalt  }
0x58: {  	_ =	shalt  }
0x59: {  	_ =	shalt  }
0x5a: {  	_ =	shalt  }
0x5b: {  	_ =	shalt  }
0x5c: {  	_ =	shalt  }
0x5d: {  	_ =	shalt  }
0x5e: {  	_ =	shalt  }
0x5f: {  	_ =	shalt  }
0x60: {  	_ =	shalt  }
0x61: {  	_ =	shalt  }
0x62: {  	_ =	shalt  }
0x63: {  	_ =	shalt  }
0x64: {  	_ =	shalt  }
0x65: {  	_ =	shalt  }
0x66: {  	_ =	shalt  }
0x67: {  	_ =	shalt  }
0x68: {  	_ =	shalt  }
0x69: {  	_ =	shalt  }
0x6a: {  	_ =	shalt  }
0x6b: {  	_ =	shalt  }
0x6c: {  	_ =	shalt  }
0x6d: {  	_ =	shalt  }
0x6e: {  	_ =	shalt  }
0x6f: {  	_ =	shalt  }
0x70: {  	_ =	shalt  }
0x71: {  	_ =	shalt  }
0x72: {  	_ =	shalt  }
0x73: {  	_ =	shalt  }
0x74: {  	_ =	shalt  }
0x75: {  	_ =	shalt  }
0x76: {  	_ =	shalt  }
0x77: {  	_ =	shalt  }
0x78: {  	_ =	shalt  }
0x79: {  	_ =	shalt  }
0x7a: {  	_ =	shalt  }
0x7b: {  	_ =	shalt  }
0x7c: {  	_ =	shalt  }
0x7d: {  	_ =	shalt  }
0x7e: {  	_ =	shalt  }
0x7f: {  	_ =	shalt  }
0x80: {  	_ =	shalt  }
0x81: {  	_ =	shalt  }
0x82: {  	_ =	shalt  }
0x83: {  	_ =	shalt  }
0x84: {  	_ =	shalt  }
0x85: {  	_ =	shalt  }
0x86: {  	_ =	shalt  }
0x87: {  	_ =	shalt  }
.Lfunc_end0:
.L_simem_size_0:
called_computation.1_lowered:
.L_overlay_start_0:
0x88: {  	s2 =	sld [smem:$0x3FD9]  }
0x89: {  	s3 =	sld [smem:$0x3FFE];
	_ =	sdelay $0x1  }
0x8a: {  	s1 =	srdreg.scid  }
0x8b: {  	s0 =	sand.u32 $0x1, s1  }
0x8c: {  	s17 =	sshll.u32 s0, $0xA;
	s2 =	sadd.s32 s3, s2  }
0x8d: {  	s2 =	sadd.s32 s2, s17  }
0x8e: {  	[smem:$0x3FC3] =	sst s2  }
0x8f: {  	_ = 	snop  }
0x90: {  	s2 =	sld [smem:$0x3FD0];
	(tm) =	ssettm $0x1  }
0x91: {  	s18 =	sld [smem:$0x3FFB];
	_ =	sdelay $0x3  }
0x92: {  	_ =	strace s18  }
0x93: {  	s3 =	sld [smem:$0x3FFC];
	_ =	sdelay $0x3  }
0x94: {  	_ =	strace s3  }
0x95: {  	s3 =	sld [smem:$0x3FFD];
	_ =	sdelay $0x3  }
0x96: {  	_ =	strace s3  }
0x97: {  	_ =	strace $0x8FFFFFFF  }
0x98: {  	s19 =	sld [smem:$0x3FDB];
	_ =	sdelay $0x1  }
0x99: {  	s4 =	simm.s32 $_scs_section_size  }
0x9a: {  	s5 =	simm.s32 $_size__tile_overlayer_lowered;
	s6 =	simm.s32 $_tile_overlayer_lowered  }
0x9b: {  	s22 =	simm.s32 $0x1BFF;
	s21 =	sshll.u32 s6, $0x1;
	s3 =	sadd.s32 s4, s19  }
0x9c: {  	s7 =	simm.s32 $0x0;
	s20 =	sshll.u32 s5, $0x1;
	s5 =	sadd.s32 s21, s3  }
0x9d: {  	[timem:s7], [sflag:s22] =	dma.local [hbm:s5], s20  }
0x9e: {  	_ =	swait.ge [sflag:s22], s20  }
0x9f: {  	s4 =	ssub.s32 $0x0, s20;
	[sflag:s22] =	ssyncset.done $0x0  }
0xa0: {  	[sflag:s22] =	ssyncadd.s32 s4;
	_ =	sdelay $0x1  }
0xa1: {  	s23 =	simm.s32 $0x1B8B  }
0xa2: {  	_ =	swait.ge [sflag:s23], $0x1  }
0xa3: {  	[sflag:s23] =	ssyncset.done $0x0  }
0xa4: {  	s25 =	simm.s32 $0x1B8E;
	s24 =	sld [smem:$0x3FFE];
	[sflag:s23] =	ssyncadd.s32 $0xFFFFFFFF  }
0xa5: {  	s26 =	simm.s32 $execute0_lowered;
	[smem:$0x3FD2] =	sst s25  }
0xa6: {  	s5 =	sshll.u32 s26, $0x1;
	_ =	strace $0x80000046;
	[dreg:$0x1] =	wrdreg $0xFFFFFFFF  }
0xa7: {  	s28 =	simm.s32 $_size_execute0_lowered;
	s3 =	sadd.s32 s3, s5;
	[dreg:$0x0] =	wrdreg $0x0  }
0xa8: {  	s5 =	sshll.u32 s28, $0x1;
	[dreg:$0x2] =	wrdreg s3  }
0xa9: {  	[dreg:$0x3] =	wrdreg s5  }
0xaa: {  	[dreg:$0x4] =	wrdreg $0xC0  }
0xab: {  	_ =	task [dreg:s7], $0x5FFFF  }
0xac: {  	[dreg:$0x1] =	wrdreg $0xFFFFFFFF  }
0xad: {  	[dreg:$0x0] =	wrdreg $0x60  }
0xae: {  	[dreg:$0x2] =	wrdreg s2  }
0xaf: {  	[dreg:$0x3] =	wrdreg s24  }
0xb0: {  	[dreg:$0x4] =	wrdreg $0x9  }
0xb1: {  	_ =	task.clear_ibuf [dreg:s7], $0x5FFFF;
	_ =	strace $0x90000046  }
0xb2: {  	s29 =	simm.s32 $0x9;
	_ =	strace $0x80000048  }
0xb3: {  	_ =	swait.ge [sflag:s29], $0x1  }
0xb4: {  	[sflag:s29] =	ssyncadd.s32 $0xFFFFFFFF  }
0xb5: {  	_ =	strace $0x90000048  }
0xb6: {  	_ =	sfence  }
0xb7: {  	s30 =	sld [smem:$0x0];
	_ =	sdelay $0x2  }
0xb8: {  	s31 =	sshll.u32 s1, $0xD;
	s1 =	sshrl.u32 s1, $0x2  }
0xb9: {  	s3 =	sand.u32 $0x4000, s31;
	s1 =	sadd.s32 s1, s30  }
0xba: {  	s0 =	sor.u32 s3, s0;
	s1 =	sshll.u32 s1, $0x11  }
0xbb: {  	s0 =	sor.u32 s1, s0  }
0xbc: {  	s0 =	sadd.s32 $0x8F2B, s0  }
0xbd: {  	[sflag:s0] =	ssyncadd.remote.s32 $0x1  }
0xbe: {  	_ =	sfence.sel $0xFFFF  }
0xbf: {  	[dreg:$0x0] =	wrdreg $0xFFFFFFFF;
	(pc) =	sbr.abs _section_cstart, $3  }
0xc0: {  	[dreg:$0x1] =	wrdreg $0xFFFFFFFF  }
0xc1: {  	_ =	task.clear_ibuf [dreg:s7], $0x2FFFF;
	_ =	strace $0x9FFFFFFF  }
0xc2: {  	(tm) =	ssettm $0x7FFFFFFF  }
0xc3: {  	_ =	shalt  }
tec
execute0_lowered:
.L_overlay_start_1:
0x0: {  	(tag) =	ssettag $0x1  }
0x1: {  	s1 =	stileid.u32  }
0x2: {  	p0 =	sgt.u32 s1, $0x7  }
.Ltmp0:
0x3: {  	_ = 	snop;
	(pc) =	sbr.rel @p0 .LBB2_9-.Ltmp0, $4  }
0x4: {  	s3 =	rddreg [dreg:$0x0]  }
0x5: {  	s4 =	rddreg [dreg:$0x1];
	s2 =	simm.s32 $0x0  }
0x6: {  	[smem:$0x7FF] =	sst s2  }
0x7: {  	s0 =	rddreg [dreg:$0x2];
	_ =	strace $0x80000047  }
0x8: {  	s5 =	srdreg.scid  }
0x9: {  	s7 =	sshrl.u32 s1, $0x2;
	s26 =	sshll.u32 s1, $0x4;
	s28 =	sadd.s32 $0x1400, s4  }
0xa: {  	s10 =	simm.s32 $0x4000;
	s11 =	simm.s32 $0xC000;
	s5 =	sand.u32 $0x1, s5  }
0xb: {  	s12 =	simm.s32 $0x8000;
	s6 =	sshll.u32 s5, $0x1;
	s5 =	ssub.s32 $0x2, s5  }
0xc: {  	s6 =	sadd.s32 s7, s6;
	s7 =	sand.u32 $0x30, s26;
	s9 =	sshrl.u32 s5, $0x1  }
0xd: {  	s8 =	sshll.u32 s6, $0xD;
	s30 =	ssub.s32 s5, s9;
	s31 =	sshll.u32 s6, $0x4  }
0xe: {  	s9 =	simm.s32 $0x1;
	s7 =	sor.u32 s7, s8;
	s5 =	sadd.s32 s28, s31  }
0xf: {  	s6 =	smax.u32 s30, $0x1;
	s8 =	simm.s32 $0x200;
	s29 =	sadd.s32 s7, s4  }
0x10: {  	v0 =	vimm.f32 $0.0e+00;
	s3 =	sadd.s32 s3, s7;
	s7 =	simm.s32 $0x80;
	s4 =	sadd.s32 $0x3400, s29  }
.LBB2_2:
0x11: {  	s13 =	simm.s32 $0x0  }
0x12: {  	[tilespmem:s13], [sflag:$0x1] =	stream.strided.gather [hbm4b:s5+s7], $0x4000, s8, s7, $0x38;
	[tilespmem:$0x1C000] =	vst v63  }
0x13: {  	_ =	swait.ge [sflag:s9], $0x4000  }
0x14: {  	[sflag:s9] =	ssyncset.done $0x0  }
0x15: {  	[sflag:s9] =	ssyncadd.s32 $0xFFFFC000  }
0x16: {  	[tilespmem:s10], [sflag:$0x1] =	stream.strided.gather [hbm4b:s3+s7], $0x4000, s8, s7, $0x38;
	[tilespmem:$0x1C000] =	vst v63  }
0x17: {  	_ =	swait.ge [sflag:s9], $0x4000  }
0x18: {  	[sflag:s9] =	ssyncset.done $0x0  }
0x19: {  	s14 =	simm.s32 $0x0;
	s15 =	simm.s32 $0x200;
	[sflag:s9] =	ssyncadd.s32 $0xFFFFC000  }
.LBB2_3:
0x1a: {  	p0 =	sne.s32 s15, $0x3FE00;
	[tilespmem:s14+$0xC070] =	vst v0  }
0x1b: {  	[tilespmem:s14+$0xC000] =	vst v0  }
0x1c: {  	[tilespmem:s14+$0xC010] =	vst v0  }
.Ltmp1:
0x1d: {  	[tilespmem:s14+$0xC020] =	vst v0;
	(pc) =	sbr.rel @p0 .LBB2_3-.Ltmp1, $4  }
0x1e: {  	[tilespmem:s14+$0xC030] =	vst v0  }
0x1f: {  	[tilespmem:s14+$0xC040] =	vst v0  }
0x20: {  	[tilespmem:s14+$0xC050] =	vst v0  }
0x21: {  	[tilespmem:s14+$0xC060] =	vst v0;
	s14 =	sshra.s32 s15, $0x2;
	s15 =	sadd.s32 $0x200, s15  }
0x22: {  	[tilespmem:s14+$0xC070] =	vst v0  }
0x23: {  	[tilespmem:s14+$0xC000] =	vst v0  }
0x24: {  	[tilespmem:s14+$0xC010] =	vst v0  }
0x25: {  	[tilespmem:s14+$0xC020] =	vst v0  }
0x26: {  	[tilespmem:s14+$0xC030] =	vst v0  }
0x27: {  	[tilespmem:s14+$0xC040] =	vst v0  }
0x28: {  	[tilespmem:s14+$0xC050] =	vst v0  }
0x29: {  	[tilespmem:s14+$0xC060] =	vst v0  }
.LBB2_5:
0x2a: {  	s14 =	sshra.s32 s13, $0x2  }
0x2b: {  	v1 =	vld [tilespmem:s14+$0x0];
	_ =	sdelay $0x2  }
0x2c: {  	v2 =	vld [tilespmem:s14+$0x4000];
	_ =	sdelay $0x4  }
0x2d: {  	[tilespmem:v1+s11+$0x0] =	vst.idx.add.f32.msk $0xffff, v2  }
0x2e: {  	v1 =	vld [tilespmem:s14+$0x10];
	_ =	sdelay $0x2  }
0x2f: {  	v2 =	vld [tilespmem:s14+$0x4010];
	_ =	sdelay $0x4  }
0x30: {  	[tilespmem:v1+s11+$0x0] =	vst.idx.add.f32.msk $0xffff, v2  }
0x31: {  	v1 =	vld [tilespmem:s14+$0x20];
	_ =	sdelay $0x2  }
0x32: {  	v2 =	vld [tilespmem:s14+$0x4020];
	_ =	sdelay $0x4  }
0x33: {  	[tilespmem:v1+s11+$0x0] =	vst.idx.add.f32.msk $0xffff, v2  }
0x34: {  	v1 =	vld [tilespmem:s14+$0x30];
	_ =	sdelay $0x2  }
0x35: {  	v2 =	vld [tilespmem:s14+$0x4030];
	_ =	sdelay $0x4  }
0x36: {  	[tilespmem:v1+s11+$0x0] =	vst.idx.add.f32.msk $0xffff, v2  }
0x37: {  	v1 =	vld [tilespmem:s14+$0x40];
	_ =	sdelay $0x2  }
0x38: {  	v2 =	vld [tilespmem:s14+$0x4040];
	_ =	sdelay $0x4  }
0x39: {  	[tilespmem:v1+s11+$0x0] =	vst.idx.add.f32.msk $0xffff, v2  }
0x3a: {  	v1 =	vld [tilespmem:s14+$0x50];
	_ =	sdelay $0x2  }
0x3b: {  	v2 =	vld [tilespmem:s14+$0x4050];
	_ =	sdelay $0x4  }
0x3c: {  	[tilespmem:v1+s11+$0x0] =	vst.idx.add.f32.msk $0xffff, v2  }
0x3d: {  	v1 =	vld [tilespmem:s14+$0x60];
	_ =	sdelay $0x2  }
0x3e: {  	v2 =	vld [tilespmem:s14+$0x4060];
	_ =	sdelay $0x4  }
0x3f: {  	[tilespmem:v1+s11+$0x0] =	vst.idx.add.f32.msk $0xffff, v2  }
0x40: {  	v1 =	vld [tilespmem:s14+$0x70];
	_ =	sdelay $0x2  }
0x41: {  	p0 =	sne.s32 s13, $0xFE00;
	v2 =	vld [tilespmem:s14+$0x4070]  }
.Ltmp2:
0x42: {  	_ = 	snop;
	(pc) =	sbr.rel @p0 .LBB2_5-.Ltmp2, $2  }
0x43: {  	_ =	sdelay $0x2  }
0x44: {  	s13 =	sadd.s32 $0x200, s13;
	[tilespmem:v1+s11+$0x0] =	vst.idx.add.f32.msk $0xffff, v2  }
0x45: {  	s13 =	simm.s32 $0x0  }
0x46: {  	v1 =	vld [tilespmem:s13+$0x0];
	_ =	sdelay $0x5  }
0x47: {  	v2 =	vld [tilespmem:s13+$0x10];
	_ =	sdelay $0x1  }
0x48: {  	v1 =	vld.idx.msk [tilespmem:v1+s11+$0x0], $0xffff;
	_ =	sdelay $0x4  }
0x49: {  	[tilespmem:s13+$0x8000] =	vst v1;
	v1 =	vld [tilespmem:s13+$0x20]  }
0x4a: {  	v2 =	vld.idx.msk [tilespmem:v2+s11+$0x0], $0xffff;
	_ =	sdelay $0x4  }
0x4b: {  	[tilespmem:s13+$0x8010] =	vst v2;
	v2 =	vld [tilespmem:s13+$0x30];
	_ =	sdelay $0x1  }
0x4c: {  	v1 =	vld.idx.msk [tilespmem:v1+s11+$0x0], $0xffff;
	_ =	sdelay $0x4  }
0x4d: {  	[tilespmem:s13+$0x8020] =	vst v1;
	v1 =	vld [tilespmem:s13+$0x40]  }
0x4e: {  	v2 =	vld.idx.msk [tilespmem:v2+s11+$0x0], $0xffff;
	_ =	sdelay $0x4  }
0x4f: {  	[tilespmem:s13+$0x8030] =	vst v2;
	v2 =	vld [tilespmem:s13+$0x50];
	_ =	sdelay $0x1  }
0x50: {  	v1 =	vld.idx.msk [tilespmem:v1+s11+$0x0], $0xffff;
	_ =	sdelay $0x4  }
0x51: {  	v3 =	vld [tilespmem:s13+$0x60];
	[tilespmem:s13+$0x8040] =	vst v1  }
0x52: {  	v1 =	vld.idx.msk [tilespmem:v2+s11+$0x0], $0xffff;
	_ =	sdelay $0x4  }
0x53: {  	[tilespmem:s13+$0x8050] =	vst v1;
	v1 =	vld [tilespmem:s13+$0x70];
	_ =	sdelay $0x1  }
0x54: {  	v2 =	vld.idx.msk [tilespmem:v3+s11+$0x0], $0xffff;
	_ =	sdelay $0x3  }
0x55: {  	s15 =	simm.s32 $0x80;
	s14 =	simm.s32 $0x400  }
.LBB2_7:
0x56: {  	p0 =	sne.s32 s14, $0xFE00;
	v3 =	vld [tilespmem:s15+$0x0];
	[tilespmem:s13+$0x8060] =	vst v2  }
0x57: {  	v1 =	vld.idx.msk [tilespmem:v1+s11+$0x0], $0xffff;
	_ =	sdelay $0x5  }
0x58: {  	v2 =	vld [tilespmem:s15+$0x10];
	[tilespmem:s13+$0x8070] =	vst v1;
	s13 =	smov.u32 s15  }
0x59: {  	v1 =	vld.idx.msk [tilespmem:v3+s11+$0x0], $0xffff;
	_ =	sdelay $0x5  }
0x5a: {  	[tilespmem:s13+$0x8000] =	vst v1;
	v1 =	vld [tilespmem:s13+$0x20]  }
0x5b: {  	v2 =	vld.idx.msk [tilespmem:v2+s11+$0x0], $0xffff;
	_ =	sdelay $0x5  }
0x5c: {  	[tilespmem:s13+$0x8010] =	vst v2;
	v2 =	vld [tilespmem:s13+$0x30]  }
0x5d: {  	v1 =	vld.idx.msk [tilespmem:v1+s11+$0x0], $0xffff;
	_ =	sdelay $0x5  }
0x5e: {  	[tilespmem:s13+$0x8020] =	vst v1;
	v1 =	vld [tilespmem:s13+$0x40]  }
0x5f: {  	v2 =	vld.idx.msk [tilespmem:v2+s11+$0x0], $0xffff;
	_ =	sdelay $0x5  }
0x60: {  	[tilespmem:s13+$0x8030] =	vst v2;
	v2 =	vld [tilespmem:s13+$0x50]  }
0x61: {  	v1 =	vld.idx.msk [tilespmem:v1+s11+$0x0], $0xffff;
	_ =	sdelay $0x5  }
0x62: {  	[tilespmem:s13+$0x8040] =	vst v1;
	v3 =	vld [tilespmem:s13+$0x60]  }
0x63: {  	v1 =	vld.idx.msk [tilespmem:v2+s11+$0x0], $0xffff;
	_ =	sdelay $0x5  }
0x64: {  	[tilespmem:s13+$0x8050] =	vst v1;
	v1 =	vld [tilespmem:s13+$0x70]  }
0x65: {  	v2 =	vld.idx.msk [tilespmem:v3+s11+$0x0], $0xffff  }
.Ltmp3:
0x66: {  	(pc) =	sbr.rel @p0 .LBB2_7-.Ltmp3, $2  }
0x67: {  	_ =	sdelay $0x2  }
0x68: {  	s15 =	sshra.s32 s14, $0x2;
	s14 =	sadd.s32 $0x200, s14  }
0x69: {  	_ =	sdelay $0x1  }
0x6a: {  	v3 =	vld [tilespmem:s15+$0x0]  }
0x6b: {  	[tilespmem:s13+$0x8060] =	vst v2  }
0x6c: {  	v1 =	vld.idx.msk [tilespmem:v1+s11+$0x0], $0xffff;
	_ =	sdelay $0x3  }
0x6d: {  	v2 =	vld [tilespmem:s15+$0x10]  }
0x6e: {  	[tilespmem:s13+$0x8070] =	vst v1  }
0x6f: {  	v1 =	vld.idx.msk [tilespmem:v3+s11+$0x0], $0xffff;
	_ =	sdelay $0x4  }
0x70: {  	[tilespmem:s15+$0x8000] =	vst v1;
	v1 =	vld [tilespmem:s15+$0x20]  }
0x71: {  	v2 =	vld.idx.msk [tilespmem:v2+s11+$0x0], $0xffff;
	_ =	sdelay $0x4  }
0x72: {  	[tilespmem:s15+$0x8010] =	vst v2;
	v2 =	vld [tilespmem:s15+$0x30];
	_ =	sdelay $0x1  }
0x73: {  	v1 =	vld.idx.msk [tilespmem:v1+s11+$0x0], $0xffff;
	_ =	sdelay $0x4  }
0x74: {  	[tilespmem:s15+$0x8020] =	vst v1;
	v1 =	vld [tilespmem:s15+$0x40]  }
0x75: {  	v2 =	vld.idx.msk [tilespmem:v2+s11+$0x0], $0xffff;
	_ =	sdelay $0x4  }
0x76: {  	[tilespmem:s15+$0x8030] =	vst v2;
	v2 =	vld [tilespmem:s15+$0x50];
	_ =	sdelay $0x1  }
0x77: {  	v1 =	vld.idx.msk [tilespmem:v1+s11+$0x0], $0xffff;
	_ =	sdelay $0x4  }
0x78: {  	[tilespmem:s15+$0x8040] =	vst v1;
	v1 =	vld [tilespmem:s15+$0x60]  }
0x79: {  	v2 =	vld.idx.msk [tilespmem:v2+s11+$0x0], $0xffff;
	_ =	sdelay $0x4  }
0x7a: {  	[tilespmem:s15+$0x8050] =	vst v2;
	v2 =	vld [tilespmem:s15+$0x70];
	_ =	sdelay $0x1  }
0x7b: {  	v1 =	vld.idx.msk [tilespmem:v1+s11+$0x0], $0xffff;
	_ =	sdelay $0x4  }
0x7c: {  	[tilespmem:s15+$0x8060] =	vst v1  }
0x7d: {  	v1 =	vld.idx.msk [tilespmem:v2+s11+$0x0], $0xffff;
	_ =	sdelay $0x2  }
0x7e: {  	s2 =	sadd.s32 $0x1, s2  }
0x7f: {  	p0 =	sne.s32 s2, s6  }
.Ltmp4:
0x80: {  	[tilespmem:s15+$0x8070] =	vst v1;
	(pc) =	sbr.rel @p0 .LBB2_2-.Ltmp4, $4  }
0x81: {  	[hbm4b:s4+s7] =	stream.strided.scatter [tilespmem:s12], [sflag:$0x1], $0x4000, s8, s7, $0x38;
	[tilespmem:$0x1C000] =	vst v63  }
0x82: {  	_ =	swait.ge [sflag:s9], $0x4000  }
0x83: {  	[sflag:s9] =	ssyncset.done $0x0  }
0x84: {  	[sflag:s9] =	ssyncadd.s32 $0xFFFFC000  }
.LBB2_9:
0x85: {  	_ =	sfence.sel $0x180000  }
0x86: {  	[bflag:$0x0] =	sbarrier.arrive $0xFFFF  }
0x87: {  	p0 =	sne.s32 s1, $0x0;
	_ =	strace $0x90000047  }
0x88: {  	s0 =	sadd.s32 @!p0 $0x100000, s0;
	[bflag:$0x2] =	sbarrier.arrive $0xFFFF  }
0x89: {  	[sflag:s0] =	ssyncadd.tile.s32 @!p0 $0x1;
	_ =	shalt  }
.Lfunc_end2:
_tile_overlayer_lowered:
.L_overlay_start_2:
0x8a: {  	(tag) =	ssettag $0x2  }
0x8b: {  	s0 =	rddreg [dreg:$0x0];
	s2 =	stileid.u32  }
0x8c: {  	s1 =	rddreg [dreg:$0x1];
	p0 =	sne.s32 s2, $0x0  }
0x8d: {  	s3 =	rddreg [dreg:$0x2];
	[bflag:$0x3] =	sbarrier.arrive $0xFFFF;
	s2 =	simm.s32 @!p0 $0x1C01  }
0x8e: {  	[timem:s3], [sflag:s2] =	dma.local @!p0 [hbm:s0], s1  }
0x8f: {  	s0 =	simm.s32 @!p0 $0x1  }
0x90: {  	_ =	swait.ge @!p0 [sflag:s0], s1  }
0x91: {  	s1 =	ssub.s32 @!p0 $0x0, s1;
	[sflag:s0] =	ssyncset.done @!p0 $0x0  }
0x92: {  	[sflag:s0] =	ssyncadd.s32 @!p0 s1  }
0x93: {  	[bflag:$0x3] =	sbarrier.arrive $0xFFFF  }
0x94: {  	_ =	shalt  }

// kernel: sparse-core-data-format-call.cloned.1.call-start
scs
called_computation_lowered:
.L_overlay_start_0:
0x0: {  	s2 =	sld [smem:$0x3FD9]  }
0x1: {  	s3 =	sld [smem:$0x3FFE];
	_ =	sdelay $0x1  }
0x2: {  	s1 =	srdreg.scid  }
0x3: {  	s0 =	sand.u32 $0x1, s1  }
0x4: {  	s18 =	sshll.u32 s0, $0xA;
	s2 =	sadd.s32 s3, s2  }
0x5: {  	s2 =	sadd.s32 s2, s18  }
0x6: {  	[smem:$0x3FC3] =	sst s2  }
0x7: {  	_ = 	snop  }
0x8: {  	s2 =	sld [smem:$0x3FD0];
	(tm) =	ssettm $0x1  }
0x9: {  	s19 =	sld [smem:$0x3FFB];
	_ =	sdelay $0x3  }
0xa: {  	_ =	strace s19  }
0xb: {  	s3 =	sld [smem:$0x3FFC];
	_ =	sdelay $0x3  }
0xc: {  	_ =	strace s3  }
0xd: {  	s3 =	sld [smem:$0x3FFD];
	_ =	sdelay $0x3  }
0xe: {  	_ =	strace s3  }
0xf: {  	_ =	strace $0x8FFFFFFF  }
0x10: {  	s20 =	sld [smem:$0x3FDB];
	_ =	sdelay $0x1  }
0x11: {  	s4 =	simm.s32 $_scs_section_size  }
0x12: {  	s5 =	simm.s32 $_size__tile_overlayer_lowered;
	s6 =	simm.s32 $_tile_overlayer_lowered  }
0x13: {  	s23 =	simm.s32 $0x1BFF;
	s22 =	sshll.u32 s6, $0x1;
	s3 =	sadd.s32 s4, s20  }
0x14: {  	s7 =	simm.s32 $0x0;
	s21 =	sshll.u32 s5, $0x1;
	s5 =	sadd.s32 s22, s3  }
0x15: {  	[timem:s7], [sflag:s23] =	dma.local [hbm:s5], s21  }
0x16: {  	_ =	swait.ge [sflag:s23], s21  }
0x17: {  	s4 =	ssub.s32 $0x0, s21;
	[sflag:s23] =	ssyncset.done $0x0  }
0x18: {  	[sflag:s23] =	ssyncadd.s32 s4;
	_ =	sdelay $0x1  }
0x19: {  	s24 =	simm.s32 $0x1B8B  }
0x1a: {  	_ =	swait.ge [sflag:s24], $0x1  }
0x1b: {  	[sflag:s24] =	ssyncset.done $0x0  }
0x1c: {  	s26 =	simm.s32 $0x1B8E;
	s25 =	sld [smem:$0x3FFE];
	[sflag:s24] =	ssyncadd.s32 $0xFFFFFFFF  }
0x1d: {  	s27 =	simm.s32 $execute0_lowered;
	[smem:$0x3FD2] =	sst s26  }
0x1e: {  	s5 =	sshll.u32 s27, $0x1;
	_ =	strace $0x8000004C;
	[dreg:$0x1] =	wrdreg $0xFFFFFFFF  }
0x1f: {  	s28 =	simm.s32 $_size_execute0_lowered;
	s3 =	sadd.s32 s3, s5;
	[dreg:$0x0] =	wrdreg $0x0  }
0x20: {  	s5 =	sshll.u32 s28, $0x1;
	[dreg:$0x2] =	wrdreg s3  }
0x21: {  	[dreg:$0x3] =	wrdreg s5  }
0x22: {  	[dreg:$0x4] =	wrdreg $0xC0  }
0x23: {  	_ =	task [dreg:s7], $0x5FFFF  }
0x24: {  	[dreg:$0x1] =	wrdreg $0xFFFFFFFF  }
0x25: {  	[dreg:$0x0] =	wrdreg $0x60  }
0x26: {  	[dreg:$0x2] =	wrdreg s25  }
0x27: {  	[dreg:$0x3] =	wrdreg s2  }
0x28: {  	[dreg:$0x4] =	wrdreg $0x9  }
0x29: {  	_ =	task.clear_ibuf [dreg:s7], $0x5FFFF;
	_ =	strace $0x9000004C  }
0x2a: {  	s29 =	simm.s32 $0x9;
	_ =	strace $0x8000004E  }
0x2b: {  	_ =	swait.ge [sflag:s29], $0x1  }
0x2c: {  	[sflag:s29] =	ssyncadd.s32 $0xFFFFFFFF  }
0x2d: {  	_ =	strace $0x9000004E  }
0x2e: {  	_ =	sfence  }
0x2f: {  	s30 =	sld [smem:$0x0];
	_ =	sdelay $0x2  }
0x30: {  	s31 =	sshll.u32 s1, $0xD;
	s1 =	sshrl.u32 s1, $0x2  }
0x31: {  	s3 =	sand.u32 $0x4000, s31;
	s1 =	sadd.s32 s1, s30  }
0x32: {  	s0 =	sor.u32 s3, s0;
	s1 =	sshll.u32 s1, $0x11  }
0x33: {  	s0 =	sor.u32 s1, s0  }
0x34: {  	s0 =	sadd.s32 $0x8F2B, s0  }
0x35: {  	[sflag:s0] =	ssyncadd.remote.s32 $0x1  }
0x36: {  	_ =	sfence.sel $0xFFFF  }
0x37: {  	[dreg:$0x0] =	wrdreg $0xFFFFFFFF;
	(pc) =	sbr.abs _section_cstart, $3  }
0x38: {  	[dreg:$0x1] =	wrdreg $0xFFFFFFFF  }
0x39: {  	_ =	task.clear_ibuf [dreg:s7], $0x2FFFF;
	_ =	strace $0x9FFFFFFF  }
0x3a: {  	(tm) =	ssettm $0x7FFFFFFF  }
0x3b: {  	_ =	shalt  }
tec
execute0_lowered:
.L_overlay_start_1:
0x0: {  	(tag) =	ssettag $0x1  }
0x1: {  	s1 =	rddreg [dreg:$0x0]  }
0x2: {  	s2 =	rddreg [dreg:$0x1]  }
0x3: {  	s0 =	rddreg [dreg:$0x2]  }
0x4: {  	_ =	strace $0x8000004D;
	s4 =	srdreg.scid;
	s6 =	simm.s32 $0x2  }
0x5: {  	s11 =	simm.s32 $0x0;
	p0 =	por $0x0, $0x0;
	s7 =	simm.s32 $0x10000  }
.Ltmp0:
0x6: {  	s12 =	simm.s32 $0x0;
	s9 =	simm.s32 $0x0;
	(pc) =	sbr.rel .LBB1_1-.Ltmp0, $4  }
0x7: {  	s8 =	simm.s32 $0x0;
	s3 =	sadd.s32 $0x3400, s1;
	s5 =	sshll.u32 s4, $0x4  }
0x8: {  	s1 =	stileid.u32;
	s4 =	simm.s32 $0x1;
	s5 =	sand.u32 $0x10, s5  }
0x9: {  	s18 =	simm.s32 $0x0;
	[sflag:s4] =	ssyncpa.u1 $0x0;
	s5 =	sor.u32 s1, s5  }
0xa: {  	[sflag:s6] =	ssyncpa.u1 $0x0;
	s6 =	simm.s32 $0x800;
	s10 =	smov.u32 s5  }
.LBB1_7:
0xb: {  	s13 =	sadd.s32 $0x8, s9  }
0xc: {  	s11 =	sadd.s32 $0x20, s10;
	s15 =	smov.u32 s10;
	p2 =	sgt.s32 s13, $0xFF  }
0xd: {  	p1 =	slt.u32 s8, $0x2;
	s15 =	smov.u32 @p2 s11  }
0xe: {  	s8 =	sadd.s32 $0x1, s8;
	s13 =	simm.s32 @p2 $0x0;
	p2 =	sgt.s32 s15, $0x1F  }
0xf: {  	s15 =	smov.u32 @p2 s5;
	p2 =	sne.s32 s8, $0x22  }
.Ltmp1:
0x10: {  	_ = 	snop;
	(pc) =	sbr.rel @!p2 .LBB1_8-.Ltmp1, $4  }
0x11: {  	s14 =	simm.s32 @!p1 $0x2  }
0x12: {  	s12 =	smov.u32 s10;
	_ =	swait.ge @!p1 [sflag:s14], $0x4000  }
0x13: {  	p0 =	por !p0, !p0;
	s11 =	smov.u32 s9;
	[sflag:s14] =	ssyncset.done @!p1 $0x0  }
0x14: {  	s9 =	smov.u32 s13;
	[sflag:s14] =	ssyncadd.s32 @!p1 $0xFFFFC000;
	s10 =	smov.u32 s15  }
.LBB1_1:
0x15: {  	p1 =	sgt.u32 s8, $0x1F  }
0x16: {  	s13 =	sxor.u32 @!p1 $0xFFFFFFFF, s8;
	s14 =	sshll.u32 @!p1 s10, $0x10  }
0x17: {  	s15 =	sshll.u32 @!p1 s9, $0x8;
	s13 =	sshll.u32 @!p1 s13, $0xE;
	s14 =	sadd.s32 @!p1 s3, s14  }
0x18: {  	s13 =	sand.u32 @!p1 $0x4000, s13;
	s14 =	sadd.s32 @!p1 s15, s14;
	s15 =	simm.s32 @!p1 $0x0  }
0x19: {  	[tilespmem:s13], [sflag:$0x1] =	stream.linear.gather @!p1 [hbm4b:s14+s15], $0x4000, $0x38;
	[tilespmem:$0x10000] =	vst v63  }
0x1a: {  	p1 =	seq.s32 s8, $0x0  }
0x1b: {  	p2 =	seq.s32 @!p1 s8, $0x21  }
0x1c: {  	p1 =	por p1, p2  }
.Ltmp2:
0x1d: {  	_ = 	snop;
	(pc) =	sbr.rel @p1 .LBB1_7-.Ltmp2, $1  }
0x1e: {  	_ =	sdelay $0x3  }
0x1f: {  	s13 =	simm.s32 $0x1  }
0x20: {  	_ =	swait.ge [sflag:s4], $0x4000;
	s31 =	sshll.u32 s8, $0xE;
	p1 =	por $0x0, $0x0  }
0x21: {  	s19 =	simm.s32 $0x0;
	s20 =	simm.s32 $0x0;
	s13 =	simm.s32 @!p0 $0x0  }
0x22: {  	[sflag:s4] =	ssyncset.done $0x0;
	s16 =	sand.u32 $0x4000, s31;
	s13 =	sshll.u32 s13, $0x10  }
0x23: {  	[sflag:s4] =	ssyncadd.s32 $0xFFFFC000;
	s17 =	sshrl.u32 s13, $0x2;
	s13 =	sor.u32 $0x8000, s16  }
0x24: {  	s14 =	sor.u32 $0x40, s17;
	s15 =	sor.u32 $0x8410, s17;
	s17 =	sadd.s32 $0x8400, s17  }
.LBB1_3:
0x25: {  	v1 =	vld [tilespmem:s14+$0xFFFFFFD0]  }
0x26: {  	v2 =	vld [tilespmem:s14+$0x430]  }
0x27: {  	s21 =	sshll.u32 s20, $0xB;
	v4 =	vld [tilespmem:s14+$0xFFFFFFE0]  }
0x28: {  	v7 =	vld [tilespmem:s14+$0xFFFFFFF0];
	v0 =	vmov s21  }
0x29: {  	v8 =	vld [tilespmem:s14+$0x0]  }
0x2a: {  	s30 =	sand.u32 $0x300, s18;
	v9 =	vld [tilespmem:s14+$0x10]  }
0x2b: {  	s22 =	sand.u32 $0x80, s18;
	v10 =	vld [tilespmem:s14+$0x20];
	s21 =	sadd.s32 s30, s16  }
0x2c: {  	v11 =	vld [tilespmem:s14+$0x30];
	s21 =	sadd.s32 s22, s21;
	s22 =	simm.s32 $0x1;
	[tilespmem:s15+$0x60] =	vst v2  }
0x2d: {  	s31 =	sshll.u32 s19, $0x2;
	s22 =	simm.s32 @!p1 $0x0;
	[tilespmem:s15+$0xFFFFFC00] =	vst v1;
	v3 =	vld.idx.msk [tilespmem:v0+s21+$0x400 ss:$0x1], $0xffff  }
0x2e: {  	v6 =	vld [tilespmem:s14+$0x3D0];
	s22 =	sshll.u32 s22, $0x9;
	[tilespmem:s15+$0xFFFFFC10] =	vst v4;
	s21 =	sand.u32 $0xFFFFFC00, s31  }
0x2f: {  	v5 =	vld [tilespmem:s14+$0x3E0];
	[tilespmem:s15+$0xFFFFFC20] =	vst v7;
	s21 =	sor.u32 s22, s21  }
0x30: {  	[tilespmem:s15+$0xFFFFFC30] =	vst v8;
	v4 =	vld [tilespmem:s14+$0x400];
	s21 =	sshrl.u32 s21, $0x2  }
0x31: {  	[tilespmem:s15+$0xFFFFFC40] =	vst v9;
	v1 =	vld [tilespmem:s14+$0x410];
	s21 =	sadd.s32 s21, s17  }
0x32: {  	[tilespmem:s21+$0x0] =	vst v3;
	v3 =	vld [tilespmem:s14+$0x3F0]  }
0x33: {  	s25 =	simm.s32 $0x80;
	s24 =	simm.s32 $0x100;
	[tilespmem:s15+$0xFFFFFC50] =	vst v10;
	v2 =	vld [tilespmem:s14+$0x420]  }
0x34: {  	s23 =	smov.u32 s15;
	s26 =	sand.u32 $0x300, s25;
	v7 =	vld [tilespmem:s14+$0xFFFFFFC0];
	[tilespmem:s15+$0xFFFFFC60] =	vst v11;
	s22 =	sadd.s32 $0x80, s14  }
.LBB1_4:
0x35: {  	p2 =	sne.s32 s24, $0x380;
	v8 =	vld [tilespmem:s22+$0xFFFFFFD0];
	s25 =	sand.u32 $0x80, s25;
	s26 =	sadd.s32 s26, s16;
	[tilespmem:s23+$0x0] =	vst v6  }
0x36: {  	s26 =	sadd.s32 s25, s26;
	v6 =	vld [tilespmem:s22+$0x430];
	[tilespmem:s23+$0x10] =	vst v5;
	s25 =	smov.u32 s24  }
0x37: {  	v5 =	vld.idx.msk [tilespmem:v0+s26+$0x400 ss:$0x1], $0xffff;
	[tilespmem:s23+$0x20] =	vst v3  }
0x38: {  	v3 =	vld [tilespmem:s22+$0xFFFFFFE0];
	[tilespmem:s23+$0x30] =	vst v4  }
0x39: {  	v4 =	vld [tilespmem:s22+$0xFFFFFFF0];
	[tilespmem:s23+$0xFFFFFBF0] =	vst v7  }
0x3a: {  	v7 =	vld [tilespmem:s22+$0x0];
	[tilespmem:s23+$0x40] =	vst v1  }
0x3b: {  	v1 =	vld [tilespmem:s22+$0x10];
	[tilespmem:s23+$0x50] =	vst v2;
	s23 =	sadd.s32 $0x800, s23  }
0x3c: {  	s21 =	sadd.s32 $0x800, s21;
	v2 =	vld [tilespmem:s22+$0x20];
	[tilespmem:s23+$0x60] =	vst v6  }
0x3d: {  	v9 =	vld [tilespmem:s22+$0x30];
	[tilespmem:s21+$0x0] =	vst v5  }
0x3e: {  	[tilespmem:s23+$0xFFFFFC00] =	vst v8;
	v6 =	vld [tilespmem:s22+$0x3D0]  }
0x3f: {  	[tilespmem:s23+$0xFFFFFC10] =	vst v3;
	v5 =	vld [tilespmem:s22+$0x3E0]  }
.Ltmp3:
0x40: {  	[tilespmem:s23+$0xFFFFFC20] =	vst v4;
	v3 =	vld [tilespmem:s22+$0x3F0];
	(pc) =	sbr.rel @p2 .LBB1_4-.Ltmp3, $4  }
0x41: {  	[tilespmem:s23+$0xFFFFFC30] =	vst v7;
	v4 =	vld [tilespmem:s22+$0x400]  }
0x42: {  	[tilespmem:s23+$0xFFFFFC40] =	vst v1;
	v1 =	vld [tilespmem:s22+$0x410]  }
0x43: {  	[tilespmem:s23+$0xFFFFFC50] =	vst v2;
	v2 =	vld [tilespmem:s22+$0x420]  }
0x44: {  	s24 =	sadd.s32 $0x80, s24;
	s26 =	sand.u32 $0x300, s25;
	v7 =	vld [tilespmem:s22+$0xFFFFFFC0];
	[tilespmem:s23+$0xFFFFFC60] =	vst v9;
	s22 =	sadd.s32 $0x80, s22  }
0x45: {  	[tilespmem:s23+$0x0] =	vst v6  }
0x46: {  	[tilespmem:s23+$0x10] =	vst v5  }
0x47: {  	v49 =	vld [tilespmem:s22+$0x430];
	[tilespmem:s23+$0x20] =	vst v3  }
0x48: {  	v50 =	vld [tilespmem:s22+$0xFFFFFFD0];
	[tilespmem:s23+$0x30] =	vst v4  }
0x49: {  	v51 =	vld [tilespmem:s22+$0xFFFFFFE0];
	[tilespmem:s23+$0x40] =	vst v1  }
0x4a: {  	v52 =	vld [tilespmem:s22+$0xFFFFFFF0];
	[tilespmem:s23+$0x50] =	vst v2  }
0x4b: {  	s31 =	sadd.s32 $0x800, s23;
	v53 =	vld [tilespmem:s22+$0x0];
	[tilespmem:s23+$0xFFFFFBF0] =	vst v7  }
0x4c: {  	v54 =	vld [tilespmem:s22+$0x10];
	[tilespmem:s31+$0x60] =	vst v49  }
0x4d: {  	v55 =	vld [tilespmem:s22+$0x20];
	[tilespmem:s31+$0xFFFFFC00] =	vst v50  }
0x4e: {  	v56 =	vld [tilespmem:s22+$0x30];
	[tilespmem:s31+$0xFFFFFC10] =	vst v51  }
0x4f: {  	v57 =	vld [tilespmem:s22+$0x3D0];
	[tilespmem:s31+$0xFFFFFC20] =	vst v52  }
0x50: {  	v58 =	vld [tilespmem:s22+$0x3E0];
	[tilespmem:s31+$0xFFFFFC30] =	vst v53  }
0x51: {  	v59 =	vld [tilespmem:s22+$0x3F0];
	[tilespmem:s31+$0xFFFFFC40] =	vst v54  }
0x52: {  	v60 =	vld [tilespmem:s22+$0x400];
	[tilespmem:s31+$0xFFFFFC50] =	vst v55  }
0x53: {  	v61 =	vld [tilespmem:s22+$0xFFFFFFC0];
	[tilespmem:s31+$0xFFFFFC60] =	vst v56  }
0x54: {  	s24 =	sand.u32 $0x80, s25;
	s30 =	sadd.s32 s26, s16;
	v62 =	vld [tilespmem:s22+$0x410];
	[tilespmem:s31+$0x0] =	vst v57  }
0x55: {  	v63 =	vld [tilespmem:s22+$0x420];
	s20 =	sadd.s32 $0x1, s20;
	s24 =	sadd.s32 s24, s30;
	[tilespmem:s31+$0x10] =	vst v58  }
0x56: {  	p2 =	sne.s32 s20, $0x8;
	v0 =	vld.idx.msk [tilespmem:v0+s24+$0x400 ss:$0x1], $0xffff;
	[tilespmem:s31+$0x20] =	vst v59  }
.Ltmp4:
0x57: {  	[tilespmem:s31+$0x30] =	vst v60;
	(pc) =	sbr.rel @p2 .LBB1_3-.Ltmp4, $4  }
0x58: {  	[tilespmem:s31+$0xFFFFFBF0] =	vst v61  }
0x59: {  	[tilespmem:s31+$0x40] =	vst v62  }
0x5a: {  	s21 =	sadd.s32 $0x800, s21;
	s14 =	sadd.s32 $0x800, s14;
	[tilespmem:s31+$0x50] =	vst v63  }
0x5b: {  	s19 =	sadd.s32 $0x80, s19;
	p1 =	por !p1, !p1;
	s15 =	sadd.s32 $0x80, s15;
	[tilespmem:s21+$0x0] =	vst v0  }
0x5c: {  	s14 =	sshll.u32 s11, $0x8;
	s31 =	sshll.u32 s11, $0x7  }
.Ltmp5:
0x5d: {  	s14 =	sand.u32 $0xF800, s14;
	s11 =	sand.u32 $0x380, s31;
	(pc) =	sbr.rel .LBB1_7-.Ltmp5, $4  }
0x5e: {  	s12 =	sshll.u32 s12, $0x10;
	s11 =	sor.u32 s11, s14  }
0x5f: {  	s12 =	sadd.s32 s2, s12;
	s11 =	sshrl.u32 s11, $0x3  }
0x60: {  	s11 =	sadd.s32 s11, s12  }
0x61: {  	[hbm4b:s11+s6] =	stream.strided.scatter [tilespmem:s13], [sflag:$0x2], $0x4000, s7, s6, $0x38;
	[tilespmem:$0x10000] =	vst v63  }
.LBB1_8:
0x62: {  	_ =	sfence.sel $0x180000  }
0x63: {  	s2 =	simm.s32 $0x1;
	[bflag:$0x0] =	sbarrier.arrive $0xFFFF  }
0x64: {  	s31 =	simm.s32 $0x2;
	[sflag:s2] =	ssyncpa.u1 $0x1  }
0x65: {  	[sflag:s31] =	ssyncpa.u1 $0x1  }
0x66: {  	p0 =	sne.s32 s1, $0x0;
	_ =	strace $0x9000004D  }
0x67: {  	s0 =	sadd.s32 @!p0 $0x100000, s0;
	[bflag:$0x2] =	sbarrier.arrive $0xFFFF  }
0x68: {  	[sflag:s0] =	ssyncadd.tile.s32 @!p0 $0x1;
	_ =	shalt  }
.Lfunc_end1:
_tile_overlayer_lowered:
.L_overlay_start_2:
0x69: {  	(tag) =	ssettag $0x2  }
0x6a: {  	s0 =	rddreg [dreg:$0x0];
	s2 =	stileid.u32  }
0x6b: {  	s1 =	rddreg [dreg:$0x1];
	p0 =	sne.s32 s2, $0x0  }
0x6c: {  	s3 =	rddreg [dreg:$0x2];
	[bflag:$0x3] =	sbarrier.arrive $0xFFFF;
	s2 =	simm.s32 @!p0 $0x1C01  }
0x6d: {  	[timem:s3], [sflag:s2] =	dma.local @!p0 [hbm:s0], s1  }
0x6e: {  	s0 =	simm.s32 @!p0 $0x1  }
0x6f: {  	_ =	swait.ge @!p0 [sflag:s0], s1  }
0x70: {  	s1 =	ssub.s32 @!p0 $0x0, s1;
	[sflag:s0] =	ssyncset.done @!p0 $0x0  }
0x71: {  	[sflag:s0] =	ssyncadd.s32 @!p0 s1  }
0x72: {  	[bflag:$0x3] =	sbarrier.arrive $0xFFFF  }
0x73: {  	_ =	shalt  }

</sc_bundles>
